<compile_context>
chip_gen: v7x
topology: tpu7x:2x2x1
jax: 0.10.2.dev20260603
libtpu: 0.0.44.dev20260713+nightly
codegen_flags: <defaults>
</compile_context>

<pallas_src>
import jax
import jax.numpy as jnp
from jax import lax
from jax.experimental import pallas as pl
from jax.experimental.pallas import tpu as pltpu
from jax.experimental.pallas import tpu_sc as plsc

E = 8
D = 768
H = 768
T = 4096
BTR = 2048
BT = 512
NT = T // BT
NW = NT + E

NWORK = 32
TPW = T // NWORK


def _router_body(x_ref, wg_ref, eid_ref, rnk_ref, bases_ref, meta_ref,
                 loss_ref, acc_ref, blk_ref):
    i = pl.program_id(0)
    n = pl.num_programs(0)
    nblk = BTR // TPW
    logits = jnp.dot(x_ref[...], wg_ref[...], preferred_element_type=jnp.float32)
    lane = jax.lax.broadcasted_iota(jnp.int32, logits.shape, 1)
    logits = jnp.where(lane < E, logits, -jnp.inf)
    m = jnp.max(logits, axis=1, keepdims=True)
    eid = jnp.min(jnp.where(logits == m, lane, jnp.int32(2**30)), axis=1,
                  keepdims=True)
    onehot = jnp.where((lane == eid) & (lane < E), jnp.float32(1.0),
                       jnp.float32(0.0))
    ra = jax.lax.broadcasted_iota(jnp.int32, (TPW, TPW), 0)
    rb = jax.lax.broadcasted_iota(jnp.int32, (TPW, TPW), 1)
    tri = jnp.where(rb < ra, jnp.float32(1.0), jnp.float32(0.0))
    eid_rows, rnk_rows = [], []
    for j in range(nblk):
        sub = onehot[j * TPW:(j + 1) * TPW, :]
        blk_ref[pl.ds(i * nblk + j, 1), :] = jnp.sum(sub, axis=0,
                                                     keepdims=True)
        ranks = jnp.dot(tri, sub, preferred_element_type=jnp.float32)
        r_col = jnp.sum(ranks * sub, axis=1, keepdims=True).astype(jnp.int32)
        e_col = eid[j * TPW:(j + 1) * TPW, :]
        eid_rows.append(jnp.transpose(e_col, (1, 0)))
        rnk_rows.append(jnp.transpose(r_col, (1, 0)))
    eid_ref[...] = jnp.concatenate(eid_rows, 0)
    rnk_ref[...] = jnp.concatenate(rnk_rows, 0)

    @pl.when(i == 0)
    def _():
        acc_ref[...] = jnp.zeros_like(acc_ref)

    acc_ref[...] += jnp.sum(onehot, axis=0, keepdims=True)

    @pl.when(i == n - 1)
    def _():
        c = acc_ref[...]
        lane1 = lane[:1, :]
        mean = jnp.sum(jnp.where(lane1 < E, c, 0.0)) / jnp.float32(E)
        dev = jnp.where(lane1 < E, c - mean, 0.0)
        var = jnp.sum(dev * dev) / jnp.float32(E - 1)
        loss_ref[...] = jnp.full((1, 1), var / (mean * mean + 1e-10),
                                 jnp.float32)
        ua = jax.lax.broadcasted_iota(jnp.int32, (128, 128), 0)
        ub = jax.lax.broadcasted_iota(jnp.int32, (128, 128), 1)
        triu = jnp.where(ua < ub, jnp.float32(1.0), jnp.float32(0.0))
        offs_row = jnp.dot(c, triu, preferred_element_type=jnp.float32,
                           precision=jax.lax.Precision.HIGHEST)
        wa = jax.lax.broadcasted_iota(jnp.int32, (NWORK, NWORK), 0)
        wb = jax.lax.broadcasted_iota(jnp.int32, (NWORK, NWORK), 1)
        tri32 = jnp.where(wb < wa, jnp.float32(1.0), jnp.float32(0.0))
        pre = jnp.dot(tri32, blk_ref[...], preferred_element_type=jnp.float32,
                      precision=jax.lax.Precision.HIGHEST)
        bases_ref[...] = (pre + offs_row).astype(jnp.int32)
        interior = (lane1 >= 1) & (lane1 < E)
        starts = [jnp.float32(0.0)]
        es_list, ee_list = [], []
        for t in range(NT):
            es = jnp.sum(jnp.where(interior & (offs_row <= t * BT), 1.0, 0.0))
            ee = jnp.sum(jnp.where(
                interior & (offs_row <= t * BT + (BT - 1)), 1.0, 0.0))
            es_list.append(es)
            ee_list.append(ee)
            starts.append(starts[-1] + (ee - es + 1.0))
        ntot = starts[NT]
        wlane = lane1.astype(jnp.float32)
        wc = jnp.minimum(wlane, ntot - 1.0)
        t_of_w = jnp.zeros_like(wlane)
        for t in range(NT):
            t_of_w += jnp.where(starts[t] <= wc, 1.0, 0.0)
        t_of_w -= 1.0
        e_of_w = jnp.zeros_like(wlane)
        for t in range(NT):
            sel = t_of_w == jnp.float32(t)
            e_of_w = jnp.where(sel, es_list[t] + (wc - starts[t]), e_of_w)
        lane_is9 = lane1 == 9
        meta0 = jnp.where(lane_is9, ntot, offs_row)
        meta_ref[0:1, :] = meta0.astype(jnp.int32)
        meta_ref[1:2, :] = t_of_w.astype(jnp.int32)
        meta_ref[2:3, :] = e_of_w.astype(jnp.int32)
        for r in range(3, 8):
            meta_ref[r:r + 1, :] = jnp.zeros((1, 128), jnp.int32)


def _router(x, wg_pad):
    return pl.pallas_call(
        _router_body,
        grid=(T // BTR,),
        in_specs=[
            pl.BlockSpec((BTR, D), lambda i: (i, 0)),
            pl.BlockSpec((D, 128), lambda i: (0, 0)),
        ],
        out_specs=[
            pl.BlockSpec((BTR // TPW, 128), lambda i: (i, 0)),
            pl.BlockSpec((BTR // TPW, 128), lambda i: (i, 0)),
            pl.BlockSpec((NWORK, 128), lambda i: (0, 0)),
            pl.BlockSpec((8, 128), lambda i: (0, 0)),
            pl.BlockSpec((1, 1), lambda i: (0, 0)),
        ],
        out_shape=[
            jax.ShapeDtypeStruct((NWORK, 128), jnp.int32),
            jax.ShapeDtypeStruct((NWORK, 128), jnp.int32),
            jax.ShapeDtypeStruct((NWORK, 128), jnp.int32),
            jax.ShapeDtypeStruct((8, 128), jnp.int32),
            jax.ShapeDtypeStruct((1, 1), jnp.float32),
        ],
        scratch_shapes=[pltpu.VMEM((1, 128), jnp.float32),
                        pltpu.VMEM((NWORK, 128), jnp.float32)],
    )(x, wg_pad)


def _sc_dispatch_body(eid_hbm, rnk_hbm, bases_hbm, x_hbm, dest_hbm, xs_hbm,
                      eid_v, rnk_v, d0_v, d1_v, base_v, x0_v, x1_v,
                      sem_a, sem_b, sem_c, sem_d):
    hw = TPW // 2
    wid = lax.axis_index("s") * 2 + lax.axis_index("c")
    tok0 = wid * TPW
    l0 = pltpu.async_copy(x_hbm.at[pl.ds(tok0, hw)], x0_v, sem_a)
    l1 = pltpu.async_copy(x_hbm.at[pl.ds(tok0 + hw, hw)], x1_v, sem_b)
    m0 = pltpu.async_copy(eid_hbm.at[wid], eid_v, sem_c)
    m1 = pltpu.async_copy(rnk_hbm.at[wid], rnk_v, sem_d)
    pltpu.sync_copy(bases_hbm.at[wid], base_v)
    m0.wait()
    m1.wait()
    for ch in range(TPW // 16):
        v = eid_v[pl.ds(ch * 16, 16)]
        b = plsc.load_gather(base_v, [v])
        d = b + rnk_v[pl.ds(ch * 16, 16)]
        if ch < hw // 16:
            d0_v[pl.ds(ch * 16, 16)] = d
        else:
            d1_v[pl.ds(ch * 16 - hw, 16)] = d
    l0.wait()
    s0 = pltpu.async_copy(x0_v, xs_hbm.at[d0_v], sem_c)
    l1.wait()
    s1 = pltpu.async_copy(x1_v, xs_hbm.at[d1_v], sem_d)
    pltpu.sync_copy(d0_v, dest_hbm.at[pl.ds(tok0, hw)])
    pltpu.sync_copy(d1_v, dest_hbm.at[pl.ds(tok0 + hw, hw)])
    s0.wait()
    s1.wait()


def _sc_dispatch(eid, rnk, bases, x):
    mesh = plsc.VectorSubcoreMesh(core_axis_name="c", subcore_axis_name="s")
    return pl.kernel(
        _sc_dispatch_body,
        out_type=[
            jax.ShapeDtypeStruct((T,), jnp.int32),
            jax.ShapeDtypeStruct((T, D), jnp.float32),
        ],
        mesh=mesh,
        scratch_types=[
            pltpu.VMEM((TPW,), jnp.int32),
            pltpu.VMEM((TPW,), jnp.int32),
            pltpu.VMEM((TPW // 2,), jnp.int32),
            pltpu.VMEM((TPW // 2,), jnp.int32),
            pltpu.VMEM((128,), jnp.int32),
            pltpu.VMEM((TPW // 2, D), jnp.float32),
            pltpu.VMEM((TPW // 2, D), jnp.float32),
            pltpu.SemaphoreType.DMA,
            pltpu.SemaphoreType.DMA,
            pltpu.SemaphoreType.DMA,
            pltpu.SemaphoreType.DMA,
        ],
        compiler_params=pltpu.CompilerParams(needs_layout_passes=False),
    )(eid, rnk, bases, x)


def _sc_combine_body(dest_hbm, y_hbm, out_hbm, d0_v, d1_v, y0_v, y1_v,
                     sem_a, sem_b):
    hw = TPW // 2
    wid = lax.axis_index("s") * 2 + lax.axis_index("c")
    tok0 = wid * TPW
    ld0 = pltpu.async_copy(dest_hbm.at[pl.ds(tok0, hw)], d0_v, sem_a)
    ld1 = pltpu.async_copy(dest_hbm.at[pl.ds(tok0 + hw, hw)], d1_v, sem_b)
    ld0.wait()
    g0 = pltpu.async_copy(y_hbm.at[d0_v], y0_v, sem_a)
    ld1.wait()
    g1 = pltpu.async_copy(y_hbm.at[d1_v], y1_v, sem_b)
    g0.wait()
    pltpu.sync_copy(y0_v, out_hbm.at[pl.ds(tok0, hw)])
    g1.wait()
    pltpu.sync_copy(y1_v, out_hbm.at[pl.ds(tok0 + hw, hw)])


def _sc_combine(dest, y_sorted):
    mesh = plsc.VectorSubcoreMesh(core_axis_name="c", subcore_axis_name="s")
    return pl.kernel(
        _sc_combine_body,
        out_type=jax.ShapeDtypeStruct((T, D), jnp.float32),
        mesh=mesh,
        scratch_types=[
            pltpu.VMEM((TPW // 2,), jnp.int32),
            pltpu.VMEM((TPW // 2,), jnp.int32),
            pltpu.VMEM((TPW // 2, D), jnp.float32),
            pltpu.VMEM((TPW // 2, D), jnp.float32),
            pltpu.SemaphoreType.DMA,
            pltpu.SemaphoreType.DMA,
        ],
        compiler_params=pltpu.CompilerParams(needs_layout_passes=False),
    )(dest, y_sorted)


def _gmm_body(meta_ref, x_ref, w1_ref, b1_ref, w2_ref, b2_ref, y_ref):
    w = pl.program_id(0)

    @pl.when(w < meta_ref[0, 9])
    def _():
        t = meta_ref[1, w]
        e = meta_ref[2, w]
        s = meta_ref[0, e]
        epos = meta_ref[0, e + 1]
        rows = t * BT + jax.lax.broadcasted_iota(jnp.int32, (BT, 1), 0)
        mask = (rows >= s) & (rows < epos)
        h = jnp.maximum(
            jnp.dot(x_ref[...].astype(jnp.bfloat16),
                    w1_ref[0].astype(jnp.bfloat16),
                    preferred_element_type=jnp.float32) + b1_ref[0], 0.0)
        y = jnp.dot(h.astype(jnp.bfloat16), w2_ref[0].astype(jnp.bfloat16),
                    preferred_element_type=jnp.float32) + b2_ref[0]
        y_ref[...] = jnp.where(mask, y, y_ref[...])


def _gmm(meta, x_sorted, W1, b1, W2, b2):
    grid_spec = pltpu.PrefetchScalarGridSpec(
        num_scalar_prefetch=1,
        grid=(NW,),
        in_specs=[
            pl.BlockSpec((BT, D), lambda w, mr: (mr[1, w], 0)),
            pl.BlockSpec((1, D, H), lambda w, mr: (mr[2, w], 0, 0)),
            pl.BlockSpec((1, 1, H), lambda w, mr: (mr[2, w], 0, 0)),
            pl.BlockSpec((1, H, D), lambda w, mr: (mr[2, w], 0, 0)),
            pl.BlockSpec((1, 1, D), lambda w, mr: (mr[2, w], 0, 0)),
        ],
        out_specs=pl.BlockSpec((BT, D), lambda w, mr: (mr[1, w], 0)),
    )
    return pl.pallas_call(
        _gmm_body,
        grid_spec=grid_spec,
        out_shape=jax.ShapeDtypeStruct((T, D), jnp.float32),
        compiler_params=pltpu.CompilerParams(
            dimension_semantics=("arbitrary",)),
    )(meta, x_sorted, W1,
      b1.reshape(E, 1, H), W2, b2.reshape(E, 1, D))


def kernel(x, Wg, W1, b1, W2, b2):
    wg_pad = jnp.zeros((D, 128), jnp.float32).at[:, :E].set(Wg)
    eid, rnk, bases, meta, loss11 = _router(x, wg_pad)
    loss = loss11[0, 0]

    dest, x_sorted = _sc_dispatch(eid, rnk, bases, x)
    y_sorted = _gmm(meta, x_sorted, W1, b1, W2, b2)
    out = _sc_combine(dest, y_sorted)
    return out, loss, loss

# --- scband reference (transcript-rebuilt; emitter-appended) ---
"""Pipeline reference for scband-mixture-of-experts-78477642432589 (READ-ONLY COPY).

The authoritative reference and input builder live on the scoring server;
editing this copy changes nothing except your own understanding.
"""

import jax, jax.numpy as jnp
import numpy as np

E = 8
K = 1
D = 768
H = 768
T = 4096
W_IMP = 1.0
W_LOAD = 1.0


def setup_inputs(seed: int = 0) -> dict:
    key = jax.random.key(seed)
    ks = jax.random.split(key, 6)
    x = jax.random.normal(ks[0], (T, D), dtype=jnp.float32)
    Wg = jax.random.normal(ks[1], (D, E), dtype=jnp.float32) * (D ** -0.5)
    W1 = jax.random.normal(ks[2], (E, D, H), dtype=jnp.float32) * (D ** -0.5)
    b1 = jnp.zeros((E, H), dtype=jnp.float32)
    W2 = jax.random.normal(ks[3], (E, H, D), dtype=jnp.float32) * (H ** -0.5)
    b2 = jnp.zeros((E, D), dtype=jnp.float32)
    return {"x": x, "Wg": Wg, "W1": W1, "b1": b1, "W2": W2, "b2": b2}


def _moe_forward(x, Wg, W1, b1, W2, b2):
    # eval-mode forward (no gate noise): logits = x @ Wg
    n_tok = x.shape[0]
    logits = x @ Wg  # [T, E]
    # _top_k_then_softmax
    top_vals, top_idx = jax.lax.top_k(logits, K)
    probs = jax.nn.softmax(top_vals, axis=1)  # [T, K]
    rows = jnp.arange(n_tok)[:, None]
    # scatter_add of probs into dense [T, E]
    gate_probs_expanded = jnp.zeros((n_tok, E), dtype=x.dtype).at[rows, top_idx].add(probs)
    # k-hot gate mask (scatter of ones)
    gates_khot = jnp.zeros((n_tok, E), dtype=jnp.int32).at[rows, top_idx].set(1)
    # expert MLPs (num_hidden_layers=1): relu(x @ W1 + b1) @ W2 + b2, per expert
    h = jax.nn.relu(jnp.einsum('td,edh->eth', x, W1) + b1[:, None, :])
    per_expert = jnp.einsum('eth,ehd->etd', h, W2) + b2[:, None, :]
    # weighted scatter-add of expert outputs back to token order
    weights = gate_probs_expanded * gates_khot.astype(x.dtype)  # [T, E]
    output = jnp.einsum('etd,te->td', per_expert, weights)
    # importance loss
    eps = 1e-10
    importance = gate_probs_expanded.sum(axis=0)
    imp_loss = W_IMP * jnp.var(importance, ddof=1) / (jnp.mean(importance) ** 2 + eps)
    # load loss (eval branch): load = khot count per expert
    load = gates_khot.sum(axis=0).astype(x.dtype)
    load_loss = W_LOAD * jnp.var(load, ddof=1) / (jnp.mean(load) ** 2 + eps)
    return output, imp_loss, load_loss


def reference(x, Wg, W1, b1, W2, b2):
    return _moe_forward(x, Wg, W1, b1, W2, b2)

if __name__ == "__main__":
    import jax
    _d = setup_inputs()
    print(jax.jit(kernel)(*tuple(_d.values())))

</pallas_src>

<mosaic_0001>
#map = affine_map<(d0, d1) -> (0)>
#map1 = affine_map<(d0, d1) -> (0, 0)>
module attributes {stable_mosaic.version = 14 : i64} {
  func.func @_sc_combine_body(%arg0: i32, %arg1: i32, %arg2: memref<4096xi32, #tpu.memory_space<hbm>>, %arg3: memref<4096x768xf32, #tpu.memory_space<hbm>>, %arg4: memref<4096x768xf32, #tpu.memory_space<hbm>>, %arg5: memref<64xi32, #tpu.memory_space<vmem>>, %arg6: memref<64xi32, #tpu.memory_space<vmem>>, %arg7: memref<64x768xf32, #tpu.memory_space<vmem>>, %arg8: memref<64x768xf32, #tpu.memory_space<vmem>>, %arg9: memref<!tpu.dma_semaphore, #tpu.memory_space<semaphore_mem>>, %arg10: memref<!tpu.dma_semaphore, #tpu.memory_space<semaphore_mem>>) attributes {dimension_semantics = [#tpu.dimension_semantics<core_parallel>, #tpu.dimension_semantics<subcore_parallel>], iteration_bounds = array<i64: 2, 16>, scalar_prefetch = 0 : i64, scratch_operands = 6 : i64, tpu.core_type = #tpu.core_type<sc_vector_subcore>, window_params = [{transform_indices = #map}, {transform_indices = #map1}, {transform_indices = #map1}]} {
    %mul3A = arith.constant 2 : i32
    %mul3A_0 = arith.muli %arg1, %mul3A : i32
    %add3A = arith.addi %mul3A_0, %arg0 : i32
    %mul3A_1 = arith.constant 128 : i32
    %mul3A_2 = arith.muli %add3A, %mul3A_1 : i32
    %dma_start3A = tpu.memref_slice %arg2[%mul3A_2] : memref<4096xi32, #tpu.memory_space<hbm>> -> memref<64xi32, #tpu.memory_space<hbm>>
    %dma_start3A_3 = tpu.memref_slice %arg2[%mul3A_2] : memref<4096xi32, #tpu.memory_space<hbm>> -> memref<64xi32, #tpu.memory_space<hbm>>
    tpu.enqueue_dma source(%dma_start3A_3 : memref<64xi32, #tpu.memory_space<hbm>>) target(%arg5 : memref<64xi32, #tpu.memory_space<vmem>>) target_semaphore(%arg9 : memref<!tpu.dma_semaphore, #tpu.memory_space<semaphore_mem>>)
    %add3A_4 = arith.constant 64 : i32
    %add3A_5 = arith.addi %mul3A_2, %add3A_4 : i32
    %dma_start3A_6 = tpu.memref_slice %arg2[%add3A_5] : memref<4096xi32, #tpu.memory_space<hbm>> -> memref<64xi32, #tpu.memory_space<hbm>>
    %dma_start3A_7 = tpu.memref_slice %arg2[%add3A_5] : memref<4096xi32, #tpu.memory_space<hbm>> -> memref<64xi32, #tpu.memory_space<hbm>>
    tpu.enqueue_dma source(%dma_start3A_7 : memref<64xi32, #tpu.memory_space<hbm>>) target(%arg6 : memref<64xi32, #tpu.memory_space<vmem>>) target_semaphore(%arg10 : memref<!tpu.dma_semaphore, #tpu.memory_space<semaphore_mem>>)
    %dma_wait3A = tpu.memref_slice %arg2[%mul3A_2] : memref<4096xi32, #tpu.memory_space<hbm>> -> memref<64xi32, #tpu.memory_space<hbm>>
    %dma_wait3A_8 = tpu.memref_slice %arg2[%mul3A_2] : memref<4096xi32, #tpu.memory_space<hbm>> -> memref<64xi32, #tpu.memory_space<hbm>>
    tpu.wait_dma2 semaphore(%arg9 : memref<!tpu.dma_semaphore, #tpu.memory_space<semaphore_mem>>) src(%dma_wait3A_8 : memref<64xi32, #tpu.memory_space<hbm>>) dst(%arg5 : memref<64xi32, #tpu.memory_space<vmem>>)
    %dma_start3A_9 = arith.constant 0 : i32
    %dma_start3A_10 = arith.constant 0 : i32
    %dma_start3A_11 = tpu.memref_slice %arg3[%dma_start3A_9, %dma_start3A_10] : memref<4096x768xf32, #tpu.memory_space<hbm>> -> memref<4096x768xf32, #tpu.memory_space<hbm>>
    tpu.enqueue_indirect_dma source(%dma_start3A_11 : memref<4096x768xf32, #tpu.memory_space<hbm>>) target(%arg7 : memref<64x768xf32, #tpu.memory_space<vmem>>) offsets(%arg5 : memref<64xi32, #tpu.memory_space<vmem>>) semaphore(%arg9 : memref<!tpu.dma_semaphore, #tpu.memory_space<semaphore_mem>>)
    %dma_wait3A_12 = tpu.memref_slice %arg2[%add3A_5] : memref<4096xi32, #tpu.memory_space<hbm>> -> memref<64xi32, #tpu.memory_space<hbm>>
    %dma_wait3A_13 = tpu.memref_slice %arg2[%add3A_5] : memref<4096xi32, #tpu.memory_space<hbm>> -> memref<64xi32, #tpu.memory_space<hbm>>
    tpu.wait_dma2 semaphore(%arg10 : memref<!tpu.dma_semaphore, #tpu.memory_space<semaphore_mem>>) src(%dma_wait3A_13 : memref<64xi32, #tpu.memory_space<hbm>>) dst(%arg6 : memref<64xi32, #tpu.memory_space<vmem>>)
    %dma_start3A_14 = arith.constant 0 : i32
    %dma_start3A_15 = arith.constant 0 : i32
    %dma_start3A_16 = tpu.memref_slice %arg3[%dma_start3A_14, %dma_start3A_15] : memref<4096x768xf32, #tpu.memory_space<hbm>> -> memref<4096x768xf32, #tpu.memory_space<hbm>>
    tpu.enqueue_indirect_dma source(%dma_start3A_16 : memref<4096x768xf32, #tpu.memory_space<hbm>>) target(%arg8 : memref<64x768xf32, #tpu.memory_space<vmem>>) offsets(%arg6 : memref<64xi32, #tpu.memory_space<vmem>>) semaphore(%arg10 : memref<!tpu.dma_semaphore, #tpu.memory_space<semaphore_mem>>)
    %dma_wait3A_17 = arith.constant 0 : i32
    %dma_wait3A_18 = arith.constant 0 : i32
    %dma_wait3A_19 = tpu.memref_slice %arg3[%dma_wait3A_17, %dma_wait3A_18] : memref<4096x768xf32, #tpu.memory_space<hbm>> -> memref<4096x768xf32, #tpu.memory_space<hbm>>
    tpu.wait_indirect_dma semaphore(%arg9 : memref<!tpu.dma_semaphore, #tpu.memory_space<semaphore_mem>>) src(%dma_wait3A_19 : memref<4096x768xf32, #tpu.memory_space<hbm>>) dst(%arg7 : memref<64x768xf32, #tpu.memory_space<vmem>>)
    "tpu.region"() ({
      %run_scoped3A = tpu.sem_alloc : memref<!tpu.dma_semaphore, #tpu.memory_space<semaphore_mem>>
      %dma_start3A_25 = arith.constant 0 : i32
      %dma_start3A_26 = tpu.memref_slice %arg4[%mul3A_2, %dma_start3A_25] : memref<4096x768xf32, #tpu.memory_space<hbm>> -> memref<64x768xf32, #tpu.memory_space<hbm>>
      %dma_start3A_27 = arith.constant 0 : i32
      %dma_start3A_28 = tpu.memref_slice %arg4[%mul3A_2, %dma_start3A_27] : memref<4096x768xf32, #tpu.memory_space<hbm>> -> memref<64x768xf32, #tpu.memory_space<hbm>>
      tpu.enqueue_dma source(%arg7 : memref<64x768xf32, #tpu.memory_space<vmem>>) target(%dma_start3A_28 : memref<64x768xf32, #tpu.memory_space<hbm>>) target_semaphore(%run_scoped3A : memref<!tpu.dma_semaphore, #tpu.memory_space<semaphore_mem>>)
      %dma_wait3A_29 = arith.constant 0 : i32
      %dma_wait3A_30 = tpu.memref_slice %arg4[%mul3A_2, %dma_wait3A_29] : memref<4096x768xf32, #tpu.memory_space<hbm>> -> memref<64x768xf32, #tpu.memory_space<hbm>>
      %dma_wait3A_31 = arith.constant 0 : i32
      %dma_wait3A_32 = tpu.memref_slice %arg4[%mul3A_2, %dma_wait3A_31] : memref<4096x768xf32, #tpu.memory_space<hbm>> -> memref<64x768xf32, #tpu.memory_space<hbm>>
      tpu.wait_dma2 semaphore(%run_scoped3A : memref<!tpu.dma_semaphore, #tpu.memory_space<semaphore_mem>>) src(%arg7 : memref<64x768xf32, #tpu.memory_space<vmem>>) dst(%dma_wait3A_32 : memref<64x768xf32, #tpu.memory_space<hbm>>)
      tpu.yield
    }) : () -> ()
    %dma_wait3A_20 = arith.constant 0 : i32
    %dma_wait3A_21 = arith.constant 0 : i32
    %dma_wait3A_22 = tpu.memref_slice %arg3[%dma_wait3A_20, %dma_wait3A_21] : memref<4096x768xf32, #tpu.memory_space<hbm>> -> memref<4096x768xf32, #tpu.memory_space<hbm>>
    tpu.wait_indirect_dma semaphore(%arg10 : memref<!tpu.dma_semaphore, #tpu.memory_space<semaphore_mem>>) src(%dma_wait3A_22 : memref<4096x768xf32, #tpu.memory_space<hbm>>) dst(%arg8 : memref<64x768xf32, #tpu.memory_space<vmem>>)
    %add3A_23 = arith.constant 64 : i32
    %add3A_24 = arith.addi %mul3A_2, %add3A_23 : i32
    "tpu.region"() ({
      %run_scoped3A = tpu.sem_alloc : memref<!tpu.dma_semaphore, #tpu.memory_space<semaphore_mem>>
      %dma_start3A_25 = arith.constant 0 : i32
      %dma_start3A_26 = tpu.memref_slice %arg4[%add3A_24, %dma_start3A_25] : memref<4096x768xf32, #tpu.memory_space<hbm>> -> memref<64x768xf32, #tpu.memory_space<hbm>>
      %dma_start3A_27 = arith.constant 0 : i32
      %dma_start3A_28 = tpu.memref_slice %arg4[%add3A_24, %dma_start3A_27] : memref<4096x768xf32, #tpu.memory_space<hbm>> -> memref<64x768xf32, #tpu.memory_space<hbm>>
      tpu.enqueue_dma source(%arg8 : memref<64x768xf32, #tpu.memory_space<vmem>>) target(%dma_start3A_28 : memref<64x768xf32, #tpu.memory_space<hbm>>) target_semaphore(%run_scoped3A : memref<!tpu.dma_semaphore, #tpu.memory_space<semaphore_mem>>)
      %dma_wait3A_29 = arith.constant 0 : i32
      %dma_wait3A_30 = tpu.memref_slice %arg4[%add3A_24, %dma_wait3A_29] : memref<4096x768xf32, #tpu.memory_space<hbm>> -> memref<64x768xf32, #tpu.memory_space<hbm>>
      %dma_wait3A_31 = arith.constant 0 : i32
      %dma_wait3A_32 = tpu.memref_slice %arg4[%add3A_24, %dma_wait3A_31] : memref<4096x768xf32, #tpu.memory_space<hbm>> -> memref<64x768xf32, #tpu.memory_space<hbm>>
      tpu.wait_dma2 semaphore(%run_scoped3A : memref<!tpu.dma_semaphore, #tpu.memory_space<semaphore_mem>>) src(%arg8 : memref<64x768xf32, #tpu.memory_space<vmem>>) dst(%dma_wait3A_32 : memref<64x768xf32, #tpu.memory_space<hbm>>)
      tpu.yield
    }) : () -> ()
    return
  }
}

#map = affine_map<(d0, d1) -> (0, 0)>
#map1 = affine_map<(d0, d1) -> (0)>
module attributes {stable_mosaic.version = 14 : i64} {
  func.func @_sc_dispatch_body(%arg0: i32, %arg1: i32, %arg2: memref<32x128xi32, #tpu.memory_space<hbm>>, %arg3: memref<32x128xi32, #tpu.memory_space<hbm>>, %arg4: memref<32x128xi32, #tpu.memory_space<hbm>>, %arg5: memref<4096x768xf32, #tpu.memory_space<hbm>>, %arg6: memref<4096xi32, #tpu.memory_space<hbm>>, %arg7: memref<4096x768xf32, #tpu.memory_space<hbm>>, %arg8: memref<128xi32, #tpu.memory_space<vmem>>, %arg9: memref<128xi32, #tpu.memory_space<vmem>>, %arg10: memref<64xi32, #tpu.memory_space<vmem>>, %arg11: memref<64xi32, #tpu.memory_space<vmem>>, %arg12: memref<128xi32, #tpu.memory_space<vmem>>, %arg13: memref<64x768xf32, #tpu.memory_space<vmem>>, %arg14: memref<64x768xf32, #tpu.memory_space<vmem>>, %arg15: memref<!tpu.dma_semaphore, #tpu.memory_space<semaphore_mem>>, %arg16: memref<!tpu.dma_semaphore, #tpu.memory_space<semaphore_mem>>, %arg17: memref<!tpu.dma_semaphore, #tpu.memory_space<semaphore_mem>>, %arg18: memref<!tpu.dma_semaphore, #tpu.memory_space<semaphore_mem>>) attributes {dimension_semantics = [#tpu.dimension_semantics<core_parallel>, #tpu.dimension_semantics<subcore_parallel>], iteration_bounds = array<i64: 2, 16>, scalar_prefetch = 0 : i64, scratch_operands = 11 : i64, tpu.core_type = #tpu.core_type<sc_vector_subcore>, window_params = [{transform_indices = #map}, {transform_indices = #map}, {transform_indices = #map}, {transform_indices = #map}, {transform_indices = #map1}, {transform_indices = #map}]} {
    %mul3A = arith.constant 2 : i32
    %mul3A_0 = arith.muli %arg1, %mul3A : i32
    %add3A = arith.addi %mul3A_0, %arg0 : i32
    %mul3A_1 = arith.constant 128 : i32
    %mul3A_2 = arith.muli %add3A, %mul3A_1 : i32
    %dma_start3A = arith.constant 0 : i32
    %dma_start3A_3 = tpu.memref_slice %arg5[%mul3A_2, %dma_start3A] : memref<4096x768xf32, #tpu.memory_space<hbm>> -> memref<64x768xf32, #tpu.memory_space<hbm>>
    %dma_start3A_4 = arith.constant 0 : i32
    %dma_start3A_5 = tpu.memref_slice %arg5[%mul3A_2, %dma_start3A_4] : memref<4096x768xf32, #tpu.memory_space<hbm>> -> memref<64x768xf32, #tpu.memory_space<hbm>>
    tpu.enqueue_dma source(%dma_start3A_5 : memref<64x768xf32, #tpu.memory_space<hbm>>) target(%arg13 : memref<64x768xf32, #tpu.memory_space<vmem>>) target_semaphore(%arg15 : memref<!tpu.dma_semaphore, #tpu.memory_space<semaphore_mem>>)
    %add3A_6 = arith.constant 64 : i32
    %add3A_7 = arith.addi %mul3A_2, %add3A_6 : i32
    %dma_start3A_8 = arith.constant 0 : i32
    %dma_start3A_9 = tpu.memref_slice %arg5[%add3A_7, %dma_start3A_8] : memref<4096x768xf32, #tpu.memory_space<hbm>> -> memref<64x768xf32, #tpu.memory_space<hbm>>
    %dma_start3A_10 = arith.constant 0 : i32
    %dma_start3A_11 = tpu.memref_slice %arg5[%add3A_7, %dma_start3A_10] : memref<4096x768xf32, #tpu.memory_space<hbm>> -> memref<64x768xf32, #tpu.memory_space<hbm>>
    tpu.enqueue_dma source(%dma_start3A_11 : memref<64x768xf32, #tpu.memory_space<hbm>>) target(%arg14 : memref<64x768xf32, #tpu.memory_space<vmem>>) target_semaphore(%arg16 : memref<!tpu.dma_semaphore, #tpu.memory_space<semaphore_mem>>)
    %dma_start3A_12 = arith.constant 0 : i32
    %dma_start3A_13 = tpu.memref_slice %arg2[%add3A, %dma_start3A_12] : memref<32x128xi32, #tpu.memory_space<hbm>> -> memref<1x128xi32, #tpu.memory_space<hbm>>
    %dma_start3A_14 = tpu.memref_squeeze %dma_start3A_13 : memref<1x128xi32, #tpu.memory_space<hbm>> -> memref<128xi32, #tpu.memory_space<hbm>>
    %dma_start3A_15 = arith.constant 0 : i32
    %dma_start3A_16 = tpu.memref_slice %arg2[%add3A, %dma_start3A_15] : memref<32x128xi32, #tpu.memory_space<hbm>> -> memref<1x128xi32, #tpu.memory_space<hbm>>
    %dma_start3A_17 = tpu.memref_squeeze %dma_start3A_16 : memref<1x128xi32, #tpu.memory_space<hbm>> -> memref<128xi32, #tpu.memory_space<hbm>>
    tpu.enqueue_dma source(%dma_start3A_17 : memref<128xi32, #tpu.memory_space<hbm>>) target(%arg8 : memref<128xi32, #tpu.memory_space<vmem>>) target_semaphore(%arg17 : memref<!tpu.dma_semaphore, #tpu.memory_space<semaphore_mem>>)
    %dma_start3A_18 = arith.constant 0 : i32
    %dma_start3A_19 = tpu.memref_slice %arg3[%add3A, %dma_start3A_18] : memref<32x128xi32, #tpu.memory_space<hbm>> -> memref<1x128xi32, #tpu.memory_space<hbm>>
    %dma_start3A_20 = tpu.memref_squeeze %dma_start3A_19 : memref<1x128xi32, #tpu.memory_space<hbm>> -> memref<128xi32, #tpu.memory_space<hbm>>
    %dma_start3A_21 = arith.constant 0 : i32
    %dma_start3A_22 = tpu.memref_slice %arg3[%add3A, %dma_start3A_21] : memref<32x128xi32, #tpu.memory_space<hbm>> -> memref<1x128xi32, #tpu.memory_space<hbm>>
    %dma_start3A_23 = tpu.memref_squeeze %dma_start3A_22 : memref<1x128xi32, #tpu.memory_space<hbm>> -> memref<128xi32, #tpu.memory_space<hbm>>
    tpu.enqueue_dma source(%dma_start3A_23 : memref<128xi32, #tpu.memory_space<hbm>>) target(%arg9 : memref<128xi32, #tpu.memory_space<vmem>>) target_semaphore(%arg18 : memref<!tpu.dma_semaphore, #tpu.memory_space<semaphore_mem>>)
    "tpu.region"() ({
      %run_scoped3A = tpu.sem_alloc : memref<!tpu.dma_semaphore, #tpu.memory_space<semaphore_mem>>
      %dma_start3A_118 = arith.constant 0 : i32
      %dma_start3A_119 = tpu.memref_slice %arg4[%add3A, %dma_start3A_118] : memref<32x128xi32, #tpu.memory_space<hbm>> -> memref<1x128xi32, #tpu.memory_space<hbm>>
      %dma_start3A_120 = tpu.memref_squeeze %dma_start3A_119 : memref<1x128xi32, #tpu.memory_space<hbm>> -> memref<128xi32, #tpu.memory_space<hbm>>
      %dma_start3A_121 = arith.constant 0 : i32
      %dma_start3A_122 = tpu.memref_slice %arg4[%add3A, %dma_start3A_121] : memref<32x128xi32, #tpu.memory_space<hbm>> -> memref<1x128xi32, #tpu.memory_space<hbm>>
      %dma_start3A_123 = tpu.memref_squeeze %dma_start3A_122 : memref<1x128xi32, #tpu.memory_space<hbm>> -> memref<128xi32, #tpu.memory_space<hbm>>
      tpu.enqueue_dma source(%dma_start3A_123 : memref<128xi32, #tpu.memory_space<hbm>>) target(%arg12 : memref<128xi32, #tpu.memory_space<vmem>>) target_semaphore(%run_scoped3A : memref<!tpu.dma_semaphore, #tpu.memory_space<semaphore_mem>>)
      %dma_wait3A_124 = arith.constant 0 : i32
      %dma_wait3A_125 = tpu.memref_slice %arg4[%add3A, %dma_wait3A_124] : memref<32x128xi32, #tpu.memory_space<hbm>> -> memref<1x128xi32, #tpu.memory_space<hbm>>
      %dma_wait3A_126 = tpu.memref_squeeze %dma_wait3A_125 : memref<1x128xi32, #tpu.memory_space<hbm>> -> memref<128xi32, #tpu.memory_space<hbm>>
      %dma_wait3A_127 = arith.constant 0 : i32
      %dma_wait3A_128 = tpu.memref_slice %arg4[%add3A, %dma_wait3A_127] : memref<32x128xi32, #tpu.memory_space<hbm>> -> memref<1x128xi32, #tpu.memory_space<hbm>>
      %dma_wait3A_129 = tpu.memref_squeeze %dma_wait3A_128 : memref<1x128xi32, #tpu.memory_space<hbm>> -> memref<128xi32, #tpu.memory_space<hbm>>
      tpu.wait_dma2 semaphore(%run_scoped3A : memref<!tpu.dma_semaphore, #tpu.memory_space<semaphore_mem>>) src(%dma_wait3A_129 : memref<128xi32, #tpu.memory_space<hbm>>) dst(%arg12 : memref<128xi32, #tpu.memory_space<vmem>>)
      tpu.yield
    }) : () -> ()
    %dma_wait3A = arith.constant 0 : i32
    %dma_wait3A_24 = tpu.memref_slice %arg2[%add3A, %dma_wait3A] : memref<32x128xi32, #tpu.memory_space<hbm>> -> memref<1x128xi32, #tpu.memory_space<hbm>>
    %dma_wait3A_25 = tpu.memref_squeeze %dma_wait3A_24 : memref<1x128xi32, #tpu.memory_space<hbm>> -> memref<128xi32, #tpu.memory_space<hbm>>
    %dma_wait3A_26 = arith.constant 0 : i32
    %dma_wait3A_27 = tpu.memref_slice %arg2[%add3A, %dma_wait3A_26] : memref<32x128xi32, #tpu.memory_space<hbm>> -> memref<1x128xi32, #tpu.memory_space<hbm>>
    %dma_wait3A_28 = tpu.memref_squeeze %dma_wait3A_27 : memref<1x128xi32, #tpu.memory_space<hbm>> -> memref<128xi32, #tpu.memory_space<hbm>>
    tpu.wait_dma2 semaphore(%arg17 : memref<!tpu.dma_semaphore, #tpu.memory_space<semaphore_mem>>) src(%dma_wait3A_28 : memref<128xi32, #tpu.memory_space<hbm>>) dst(%arg8 : memref<128xi32, #tpu.memory_space<vmem>>)
    %dma_wait3A_29 = arith.constant 0 : i32
    %dma_wait3A_30 = tpu.memref_slice %arg3[%add3A, %dma_wait3A_29] : memref<32x128xi32, #tpu.memory_space<hbm>> -> memref<1x128xi32, #tpu.memory_space<hbm>>
    %dma_wait3A_31 = tpu.memref_squeeze %dma_wait3A_30 : memref<1x128xi32, #tpu.memory_space<hbm>> -> memref<128xi32, #tpu.memory_space<hbm>>
    %dma_wait3A_32 = arith.constant 0 : i32
    %dma_wait3A_33 = tpu.memref_slice %arg3[%add3A, %dma_wait3A_32] : memref<32x128xi32, #tpu.memory_space<hbm>> -> memref<1x128xi32, #tpu.memory_space<hbm>>
    %dma_wait3A_34 = tpu.memref_squeeze %dma_wait3A_33 : memref<1x128xi32, #tpu.memory_space<hbm>> -> memref<128xi32, #tpu.memory_space<hbm>>
    tpu.wait_dma2 semaphore(%arg18 : memref<!tpu.dma_semaphore, #tpu.memory_space<semaphore_mem>>) src(%dma_wait3A_34 : memref<128xi32, #tpu.memory_space<hbm>>) dst(%arg9 : memref<128xi32, #tpu.memory_space<vmem>>)
    %get3A = arith.constant 0 : index
    %get3A_35 = tpu.vector_load %arg8[%get3A] {strides = array<i32>} : memref<128xi32, #tpu.memory_space<vmem>>, vector<16xi32>,
    %gather3A = tpu.vector_load_idx %arg12[%get3A_35] : memref<128xi32, #tpu.memory_space<vmem>>[vector<16xi32>], vector<16xi32>,
    %get3A_36 = arith.constant 0 : index
    %get3A_37 = tpu.vector_load %arg9[%get3A_36] {strides = array<i32>} : memref<128xi32, #tpu.memory_space<vmem>>, vector<16xi32>,
    %add3A_38 = arith.addi %gather3A, %get3A_37 : vector<16xi32>
    %swap3A = arith.constant 0 : index
    %swap3A_39 = tpu.vector_load %arg10[%swap3A] {strides = array<i32>} : memref<64xi32, #tpu.memory_space<vmem>>, vector<16xi32>,
    tpu.vector_store %arg10[%swap3A], %add3A_38 {strides = array<i32>} : memref<64xi32, #tpu.memory_space<vmem>>, vector<16xi32>,
    %get3A_40 = arith.constant 16 : index
    %get3A_41 = tpu.vector_load %arg8[%get3A_40] {strides = array<i32>} : memref<128xi32, #tpu.memory_space<vmem>>, vector<16xi32>,
    %gather3A_42 = tpu.vector_load_idx %arg12[%get3A_41] : memref<128xi32, #tpu.memory_space<vmem>>[vector<16xi32>], vector<16xi32>,
    %get3A_43 = arith.constant 16 : index
    %get3A_44 = tpu.vector_load %arg9[%get3A_43] {strides = array<i32>} : memref<128xi32, #tpu.memory_space<vmem>>, vector<16xi32>,
    %add3A_45 = arith.addi %gather3A_42, %get3A_44 : vector<16xi32>
    %swap3A_46 = arith.constant 16 : index
    %swap3A_47 = tpu.vector_load %arg10[%swap3A_46] {strides = array<i32>} : memref<64xi32, #tpu.memory_space<vmem>>, vector<16xi32>,
    tpu.vector_store %arg10[%swap3A_46], %add3A_45 {strides = array<i32>} : memref<64xi32, #tpu.memory_space<vmem>>, vector<16xi32>,
    %get3A_48 = arith.constant 32 : index
    %get3A_49 = tpu.vector_load %arg8[%get3A_48] {strides = array<i32>} : memref<128xi32, #tpu.memory_space<vmem>>, vector<16xi32>,
    %gather3A_50 = tpu.vector_load_idx %arg12[%get3A_49] : memref<128xi32, #tpu.memory_space<vmem>>[vector<16xi32>], vector<16xi32>,
    %get3A_51 = arith.constant 32 : index
    %get3A_52 = tpu.vector_load %arg9[%get3A_51] {strides = array<i32>} : memref<128xi32, #tpu.memory_space<vmem>>, vector<16xi32>,
    %add3A_53 = arith.addi %gather3A_50, %get3A_52 : vector<16xi32>
    %swap3A_54 = arith.constant 32 : index
    %swap3A_55 = tpu.vector_load %arg10[%swap3A_54] {strides = array<i32>} : memref<64xi32, #tpu.memory_space<vmem>>, vector<16xi32>,
    tpu.vector_store %arg10[%swap3A_54], %add3A_53 {strides = array<i32>} : memref<64xi32, #tpu.memory_space<vmem>>, vector<16xi32>,
    %get3A_56 = arith.constant 48 : index
    %get3A_57 = tpu.vector_load %arg8[%get3A_56] {strides = array<i32>} : memref<128xi32, #tpu.memory_space<vmem>>, vector<16xi32>,
    %gather3A_58 = tpu.vector_load_idx %arg12[%get3A_57] : memref<128xi32, #tpu.memory_space<vmem>>[vector<16xi32>], vector<16xi32>,
    %get3A_59 = arith.constant 48 : index
    %get3A_60 = tpu.vector_load %arg9[%get3A_59] {strides = array<i32>} : memref<128xi32, #tpu.memory_space<vmem>>, vector<16xi32>,
    %add3A_61 = arith.addi %gather3A_58, %get3A_60 : vector<16xi32>
    %swap3A_62 = arith.constant 48 : index
    %swap3A_63 = tpu.vector_load %arg10[%swap3A_62] {strides = array<i32>} : memref<64xi32, #tpu.memory_space<vmem>>, vector<16xi32>,
    tpu.vector_store %arg10[%swap3A_62], %add3A_61 {strides = array<i32>} : memref<64xi32, #tpu.memory_space<vmem>>, vector<16xi32>,
    %get3A_64 = arith.constant 64 : index
    %get3A_65 = tpu.vector_load %arg8[%get3A_64] {strides = array<i32>} : memref<128xi32, #tpu.memory_space<vmem>>, vector<16xi32>,
    %gather3A_66 = tpu.vector_load_idx %arg12[%get3A_65] : memref<128xi32, #tpu.memory_space<vmem>>[vector<16xi32>], vector<16xi32>,
    %get3A_67 = arith.constant 64 : index
    %get3A_68 = tpu.vector_load %arg9[%get3A_67] {strides = array<i32>} : memref<128xi32, #tpu.memory_space<vmem>>, vector<16xi32>,
    %add3A_69 = arith.addi %gather3A_66, %get3A_68 : vector<16xi32>
    %swap3A_70 = arith.constant 0 : index
    %swap3A_71 = tpu.vector_load %arg11[%swap3A_70] {strides = array<i32>} : memref<64xi32, #tpu.memory_space<vmem>>, vector<16xi32>,
    tpu.vector_store %arg11[%swap3A_70], %add3A_69 {strides = array<i32>} : memref<64xi32, #tpu.memory_space<vmem>>, vector<16xi32>,
    %get3A_72 = arith.constant 80 : index
    %get3A_73 = tpu.vector_load %arg8[%get3A_72] {strides = array<i32>} : memref<128xi32, #tpu.memory_space<vmem>>, vector<16xi32>,
    %gather3A_74 = tpu.vector_load_idx %arg12[%get3A_73] : memref<128xi32, #tpu.memory_space<vmem>>[vector<16xi32>], vector<16xi32>,
    %get3A_75 = arith.constant 80 : index
    %get3A_76 = tpu.vector_load %arg9[%get3A_75] {strides = array<i32>} : memref<128xi32, #tpu.memory_space<vmem>>, vector<16xi32>,
    %add3A_77 = arith.addi %gather3A_74, %get3A_76 : vector<16xi32>
    %swap3A_78 = arith.constant 16 : index
    %swap3A_79 = tpu.vector_load %arg11[%swap3A_78] {strides = array<i32>} : memref<64xi32, #tpu.memory_space<vmem>>, vector<16xi32>,
    tpu.vector_store %arg11[%swap3A_78], %add3A_77 {strides = array<i32>} : memref<64xi32, #tpu.memory_space<vmem>>, vector<16xi32>,
    %get3A_80 = arith.constant 96 : index
    %get3A_81 = tpu.vector_load %arg8[%get3A_80] {strides = array<i32>} : memref<128xi32, #tpu.memory_space<vmem>>, vector<16xi32>,
    %gather3A_82 = tpu.vector_load_idx %arg12[%get3A_81] : memref<128xi32, #tpu.memory_space<vmem>>[vector<16xi32>], vector<16xi32>,
    %get3A_83 = arith.constant 96 : index
    %get3A_84 = tpu.vector_load %arg9[%get3A_83] {strides = array<i32>} : memref<128xi32, #tpu.memory_space<vmem>>, vector<16xi32>,
    %add3A_85 = arith.addi %gather3A_82, %get3A_84 : vector<16xi32>
    %swap3A_86 = arith.constant 32 : index
    %swap3A_87 = tpu.vector_load %arg11[%swap3A_86] {strides = array<i32>} : memref<64xi32, #tpu.memory_space<vmem>>, vector<16xi32>,
    tpu.vector_store %arg11[%swap3A_86], %add3A_85 {strides = array<i32>} : memref<64xi32, #tpu.memory_space<vmem>>, vector<16xi32>,
    %get3A_88 = arith.constant 112 : index
    %get3A_89 = tpu.vector_load %arg8[%get3A_88] {strides = array<i32>} : memref<128xi32, #tpu.memory_space<vmem>>, vector<16xi32>,
    %gather3A_90 = tpu.vector_load_idx %arg12[%get3A_89] : memref<128xi32, #tpu.memory_space<vmem>>[vector<16xi32>], vector<16xi32>,
    %get3A_91 = arith.constant 112 : index
    %get3A_92 = tpu.vector_load %arg9[%get3A_91] {strides = array<i32>} : memref<128xi32, #tpu.memory_space<vmem>>, vector<16xi32>,
    %add3A_93 = arith.addi %gather3A_90, %get3A_92 : vector<16xi32>
    %swap3A_94 = arith.constant 48 : index
    %swap3A_95 = tpu.vector_load %arg11[%swap3A_94] {strides = array<i32>} : memref<64xi32, #tpu.memory_space<vmem>>, vector<16xi32>,
    tpu.vector_store %arg11[%swap3A_94], %add3A_93 {strides = array<i32>} : memref<64xi32, #tpu.memory_space<vmem>>, vector<16xi32>,
    %dma_wait3A_96 = arith.constant 0 : i32
    %dma_wait3A_97 = tpu.memref_slice %arg5[%mul3A_2, %dma_wait3A_96] : memref<4096x768xf32, #tpu.memory_space<hbm>> -> memref<64x768xf32, #tpu.memory_space<hbm>>
    %dma_wait3A_98 = arith.constant 0 : i32
    %dma_wait3A_99 = tpu.memref_slice %arg5[%mul3A_2, %dma_wait3A_98] : memref<4096x768xf32, #tpu.memory_space<hbm>> -> memref<64x768xf32, #tpu.memory_space<hbm>>
    tpu.wait_dma2 semaphore(%arg15 : memref<!tpu.dma_semaphore, #tpu.memory_space<semaphore_mem>>) src(%dma_wait3A_99 : memref<64x768xf32, #tpu.memory_space<hbm>>) dst(%arg13 : memref<64x768xf32, #tpu.memory_space<vmem>>)
    %dma_start3A_100 = arith.constant 0 : i32
    %dma_start3A_101 = arith.constant 0 : i32
    %dma_start3A_102 = tpu.memref_slice %arg7[%dma_start3A_100, %dma_start3A_101] : memref<4096x768xf32, #tpu.memory_space<hbm>> -> memref<4096x768xf32, #tpu.memory_space<hbm>>
    tpu.enqueue_indirect_dma source(%arg13 : memref<64x768xf32, #tpu.memory_space<vmem>>) target(%dma_start3A_102 : memref<4096x768xf32, #tpu.memory_space<hbm>>) offsets(%arg10 : memref<64xi32, #tpu.memory_space<vmem>>) semaphore(%arg17 : memref<!tpu.dma_semaphore, #tpu.memory_space<semaphore_mem>>)
    %dma_wait3A_103 = arith.constant 0 : i32
    %dma_wait3A_104 = tpu.memref_slice %arg5[%add3A_7, %dma_wait3A_103] : memref<4096x768xf32, #tpu.memory_space<hbm>> -> memref<64x768xf32, #tpu.memory_space<hbm>>
    %dma_wait3A_105 = arith.constant 0 : i32
    %dma_wait3A_106 = tpu.memref_slice %arg5[%add3A_7, %dma_wait3A_105] : memref<4096x768xf32, #tpu.memory_space<hbm>> -> memref<64x768xf32, #tpu.memory_space<hbm>>
    tpu.wait_dma2 semaphore(%arg16 : memref<!tpu.dma_semaphore, #tpu.memory_space<semaphore_mem>>) src(%dma_wait3A_106 : memref<64x768xf32, #tpu.memory_space<hbm>>) dst(%arg14 : memref<64x768xf32, #tpu.memory_space<vmem>>)
    %dma_start3A_107 = arith.constant 0 : i32
    %dma_start3A_108 = arith.constant 0 : i32
    %dma_start3A_109 = tpu.memref_slice %arg7[%dma_start3A_107, %dma_start3A_108] : memref<4096x768xf32, #tpu.memory_space<hbm>> -> memref<4096x768xf32, #tpu.memory_space<hbm>>
    tpu.enqueue_indirect_dma source(%arg14 : memref<64x768xf32, #tpu.memory_space<vmem>>) target(%dma_start3A_109 : memref<4096x768xf32, #tpu.memory_space<hbm>>) offsets(%arg11 : memref<64xi32, #tpu.memory_space<vmem>>) semaphore(%arg18 : memref<!tpu.dma_semaphore, #tpu.memory_space<semaphore_mem>>)
    "tpu.region"() ({
      %run_scoped3A = tpu.sem_alloc : memref<!tpu.dma_semaphore, #tpu.memory_space<semaphore_mem>>
      %dma_start3A_118 = tpu.memref_slice %arg6[%mul3A_2] : memref<4096xi32, #tpu.memory_space<hbm>> -> memref<64xi32, #tpu.memory_space<hbm>>
      %dma_start3A_119 = tpu.memref_slice %arg6[%mul3A_2] : memref<4096xi32, #tpu.memory_space<hbm>> -> memref<64xi32, #tpu.memory_space<hbm>>
      tpu.enqueue_dma source(%arg10 : memref<64xi32, #tpu.memory_space<vmem>>) target(%dma_start3A_119 : memref<64xi32, #tpu.memory_space<hbm>>) target_semaphore(%run_scoped3A : memref<!tpu.dma_semaphore, #tpu.memory_space<semaphore_mem>>)
      %dma_wait3A_120 = tpu.memref_slice %arg6[%mul3A_2] : memref<4096xi32, #tpu.memory_space<hbm>> -> memref<64xi32, #tpu.memory_space<hbm>>
      %dma_wait3A_121 = tpu.memref_slice %arg6[%mul3A_2] : memref<4096xi32, #tpu.memory_space<hbm>> -> memref<64xi32, #tpu.memory_space<hbm>>
      tpu.wait_dma2 semaphore(%run_scoped3A : memref<!tpu.dma_semaphore, #tpu.memory_space<semaphore_mem>>) src(%arg10 : memref<64xi32, #tpu.memory_space<vmem>>) dst(%dma_wait3A_121 : memref<64xi32, #tpu.memory_space<hbm>>)
      tpu.yield
    }) : () -> ()
    %add3A_110 = arith.constant 64 : i32
    %add3A_111 = arith.addi %mul3A_2, %add3A_110 : i32
    "tpu.region"() ({
      %run_scoped3A = tpu.sem_alloc : memref<!tpu.dma_semaphore, #tpu.memory_space<semaphore_mem>>
      %dma_start3A_118 = tpu.memref_slice %arg6[%add3A_111] : memref<4096xi32, #tpu.memory_space<hbm>> -> memref<64xi32, #tpu.memory_space<hbm>>
      %dma_start3A_119 = tpu.memref_slice %arg6[%add3A_111] : memref<4096xi32, #tpu.memory_space<hbm>> -> memref<64xi32, #tpu.memory_space<hbm>>
      tpu.enqueue_dma source(%arg11 : memref<64xi32, #tpu.memory_space<vmem>>) target(%dma_start3A_119 : memref<64xi32, #tpu.memory_space<hbm>>) target_semaphore(%run_scoped3A : memref<!tpu.dma_semaphore, #tpu.memory_space<semaphore_mem>>)
      %dma_wait3A_120 = tpu.memref_slice %arg6[%add3A_111] : memref<4096xi32, #tpu.memory_space<hbm>> -> memref<64xi32, #tpu.memory_space<hbm>>
      %dma_wait3A_121 = tpu.memref_slice %arg6[%add3A_111] : memref<4096xi32, #tpu.memory_space<hbm>> -> memref<64xi32, #tpu.memory_space<hbm>>
      tpu.wait_dma2 semaphore(%run_scoped3A : memref<!tpu.dma_semaphore, #tpu.memory_space<semaphore_mem>>) src(%arg11 : memref<64xi32, #tpu.memory_space<vmem>>) dst(%dma_wait3A_121 : memref<64xi32, #tpu.memory_space<hbm>>)
      tpu.yield
    }) : () -> ()
    %dma_wait3A_112 = arith.constant 0 : i32
    %dma_wait3A_113 = arith.constant 0 : i32
    %dma_wait3A_114 = tpu.memref_slice %arg7[%dma_wait3A_112, %dma_wait3A_113] : memref<4096x768xf32, #tpu.memory_space<hbm>> -> memref<4096x768xf32, #tpu.memory_space<hbm>>
    tpu.wait_indirect_dma semaphore(%arg17 : memref<!tpu.dma_semaphore, #tpu.memory_space<semaphore_mem>>) src(%arg13 : memref<64x768xf32, #tpu.memory_space<vmem>>) dst(%dma_wait3A_114 : memref<4096x768xf32, #tpu.memory_space<hbm>>)
    %dma_wait3A_115 = arith.constant 0 : i32
    %dma_wait3A_116 = arith.constant 0 : i32
    %dma_wait3A_117 = tpu.memref_slice %arg7[%dma_wait3A_115, %dma_wait3A_116] : memref<4096x768xf32, #tpu.memory_space<hbm>> -> memref<4096x768xf32, #tpu.memory_space<hbm>>
    tpu.wait_indirect_dma semaphore(%arg18 : memref<!tpu.dma_semaphore, #tpu.memory_space<semaphore_mem>>) src(%arg14 : memref<64x768xf32, #tpu.memory_space<vmem>>) dst(%dma_wait3A_117 : memref<4096x768xf32, #tpu.memory_space<hbm>>)
    return
  }
}

module attributes {stable_mosaic.version = 14 : i64} {
  func.func @_gmm_body(%arg0: i32, %arg1: memref<8x128xi32, #tpu.memory_space<smem>>, %arg2: memref<512x768xf32, #tpu.memory_space<vmem>>, %arg3: memref<1x768x768xf32, #tpu.memory_space<vmem>>, %arg4: memref<1x1x768xf32, #tpu.memory_space<vmem>>, %arg5: memref<1x768x768xf32, #tpu.memory_space<vmem>>, %arg6: memref<1x1x768xf32, #tpu.memory_space<vmem>>, %arg7: memref<512x768xf32, #tpu.memory_space<vmem>>) attributes {dimension_semantics = [#tpu.dimension_semantics<arbitrary>], iteration_bounds = array<i64: 16>, scalar_prefetch = 1 : i64, scratch_operands = 0 : i64, tpu.core_type = #tpu.core_type<tc>, window_params = [{transform_indices = @transform_0, window_bounds = array<i64: 512, 768>}, {transform_indices = @transform_1, window_bounds = array<i64: 1, 768, 768>}, {transform_indices = @transform_2, window_bounds = array<i64: 1, 1, 768>}, {transform_indices = @transform_3, window_bounds = array<i64: 1, 768, 768>}, {transform_indices = @transform_4, window_bounds = array<i64: 1, 1, 768>}, {transform_indices = @transform_5, window_bounds = array<i64: 512, 768>}]} {
    %get3A = arith.constant 0 : index
    %get3A_0 = arith.constant 9 : index
    %get3A_1 = memref.load %arg1[%get3A, %get3A_0] : memref<8x128xi32, #tpu.memory_space<smem>>
    %lt3A = arith.cmpi slt, %arg0, %get3A_1 : i32
    %convert_element_type3A = arith.extui %lt3A : i1 to i32
    %cond3A = arith.constant 0 : i32
    %cond3A_2 = arith.cmpi ne, %convert_element_type3A, %cond3A : i32
    scf.if %cond3A_2 {
      %get3A_3 = arith.constant 1 : index
      %get3A_4 = arith.index_cast %arg0 : i32 to index
      %get3A_5 = memref.load %arg1[%get3A_3, %get3A_4] : memref<8x128xi32, #tpu.memory_space<smem>>
      %get3A_6 = arith.constant 2 : index
      %get3A_7 = arith.index_cast %arg0 : i32 to index
      %get3A_8 = memref.load %arg1[%get3A_6, %get3A_7] : memref<8x128xi32, #tpu.memory_space<smem>>
      %get3A_9 = arith.constant 0 : index
      %get3A_10 = arith.index_cast %get3A_8 : i32 to index
      %get3A_11 = memref.load %arg1[%get3A_9, %get3A_10] : memref<8x128xi32, #tpu.memory_space<smem>>
      %add3A = arith.constant 1 : i32
      %add3A_12 = arith.addi %get3A_8, %add3A : i32
      %get3A_13 = arith.constant 0 : index
      %get3A_14 = arith.index_cast %add3A_12 : i32 to index
      %get3A_15 = memref.load %arg1[%get3A_13, %get3A_14] : memref<8x128xi32, #tpu.memory_space<smem>>
      %mul3A = arith.constant 512 : i32
      %mul3A_16 = arith.muli %get3A_5, %mul3A : i32
      %iota3A = tpu.iota {dimensions = array<i32: 0>} : vector<512x1xi32>
      %add3A_17 = vector.broadcast %mul3A_16 : i32 to vector<512x1xi32>
      %add3A_18 = arith.addi %add3A_17, %iota3A : vector<512x1xi32>
      %ge3A = vector.broadcast %get3A_11 : i32 to vector<512x1xi32>
      %ge3A_19 = arith.cmpi sge, %add3A_18, %ge3A : vector<512x1xi32>
      %lt3A_20 = vector.broadcast %get3A_15 : i32 to vector<512x1xi32>
      %lt3A_21 = arith.cmpi slt, %add3A_18, %lt3A_20 : vector<512x1xi32>
      %and3A = arith.andi %ge3A_19, %lt3A_21 : vector<512x1xi1>
      %get3A_22 = arith.constant 0 : index
      %get3A_23 = arith.constant 0 : index
      %get3A_24 = vector.load %arg2[%get3A_22, %get3A_23] : memref<512x768xf32, #tpu.memory_space<vmem>>, vector<512x768xf32>
      %convert_element_type3A_25 = arith.truncf %get3A_24 : vector<512x768xf32> to vector<512x768xbf16>
      %get3A_26 = arith.constant 0 : index
      %get3A_27 = arith.constant 0 : index
      %get3A_28 = arith.constant 0 : index
      %get3A_29 = vector.load %arg3[%get3A_26, %get3A_27, %get3A_28] : memref<1x768x768xf32, #tpu.memory_space<vmem>>, vector<1x768x768xf32>
      %get3A_30 = vector.shape_cast %get3A_29 : vector<1x768x768xf32> to vector<768x768xf32>
      %convert_element_type3A_31 = arith.truncf %get3A_30 : vector<768x768xf32> to vector<768x768xbf16>
      %dot_general3A = arith.constant dense<0.000000e+00> : vector<512x768xf32>
      %dot_general3A_32 = tpu.matmul %convert_element_type3A_25, %convert_element_type3A_31, %dot_general3A {dimension_numbers = #tpu.dot_dimension_numbers<[1], [0], [0], [1], [0, 0, 1, 1], [], []>, transpose_lhs_hint = false} : vector<512x768xbf16>, vector<768x768xbf16>, vector<512x768xf32> -> vector<512x768xf32>
      %get3A_33 = arith.constant 0 : index
      %get3A_34 = arith.constant 0 : index
      %get3A_35 = arith.constant 0 : index
      %get3A_36 = vector.load %arg4[%get3A_33, %get3A_34, %get3A_35] : memref<1x1x768xf32, #tpu.memory_space<vmem>>, vector<1x1x768xf32>
      %get3A_37 = vector.shape_cast %get3A_36 : vector<1x1x768xf32> to vector<1x768xf32>
      %add3A_38 = vector.broadcast %get3A_37 : vector<1x768xf32> to vector<512x768xf32>
      %add3A_39 = arith.addf %dot_general3A_32, %add3A_38 : vector<512x768xf32>
      %max3A = arith.constant 0.000000e+00 : f32
      %max3A_40 = vector.broadcast %max3A : f32 to vector<512x768xf32>
      %max3A_41 = arith.maximumf %add3A_39, %max3A_40 : vector<512x768xf32>
      %convert_element_type3A_42 = arith.truncf %max3A_41 : vector<512x768xf32> to vector<512x768xbf16>
      %get3A_43 = arith.constant 0 : index
      %get3A_44 = arith.constant 0 : index
      %get3A_45 = arith.constant 0 : index
      %get3A_46 = vector.load %arg5[%get3A_43, %get3A_44, %get3A_45] : memref<1x768x768xf32, #tpu.memory_space<vmem>>, vector<1x768x768xf32>
      %get3A_47 = vector.shape_cast %get3A_46 : vector<1x768x768xf32> to vector<768x768xf32>
      %convert_element_type3A_48 = arith.truncf %get3A_47 : vector<768x768xf32> to vector<768x768xbf16>
      %dot_general3A_49 = arith.constant dense<0.000000e+00> : vector<512x768xf32>
      %dot_general3A_50 = tpu.matmul %convert_element_type3A_42, %convert_element_type3A_48, %dot_general3A_49 {dimension_numbers = #tpu.dot_dimension_numbers<[1], [0], [0], [1], [0, 0, 1, 1], [], []>, transpose_lhs_hint = false} : vector<512x768xbf16>, vector<768x768xbf16>, vector<512x768xf32> -> vector<512x768xf32>
      %get3A_51 = arith.constant 0 : index
      %get3A_52 = arith.constant 0 : index
      %get3A_53 = arith.constant 0 : index
      %get3A_54 = vector.load %arg6[%get3A_51, %get3A_52, %get3A_53] : memref<1x1x768xf32, #tpu.memory_space<vmem>>, vector<1x1x768xf32>
      %get3A_55 = vector.shape_cast %get3A_54 : vector<1x1x768xf32> to vector<1x768xf32>
      %add3A_56 = vector.broadcast %get3A_55 : vector<1x768xf32> to vector<512x768xf32>
      %add3A_57 = arith.addf %dot_general3A_50, %add3A_56 : vector<512x768xf32>
      %get3A_58 = arith.constant 0 : index
      %get3A_59 = arith.constant 0 : index
      %get3A_60 = vector.load %arg7[%get3A_58, %get3A_59] : memref<512x768xf32, #tpu.memory_space<vmem>>, vector<512x768xf32>
      %broadcast_in_dim3A = vector.shape_cast %and3A : vector<512x1xi1> to vector<512x1xi1>
      %broadcast_in_dim3A_61 = vector.broadcast %broadcast_in_dim3A : vector<512x1xi1> to vector<512x768xi1>
      %select_n3A = arith.select %broadcast_in_dim3A_61, %add3A_57, %get3A_60 : vector<512x768xi1>, vector<512x768xf32>
      %swap3A = arith.constant 0 : index
      %swap3A_62 = arith.constant 0 : index
      %swap3A_63 = vector.load %arg7[%swap3A, %swap3A_62] : memref<512x768xf32, #tpu.memory_space<vmem>>, vector<512x768xf32>
      tpu.vector_store %arg7[%swap3A, %swap3A_62], %select_n3A {strides = array<i32>} : memref<512x768xf32, #tpu.memory_space<vmem>>, vector<512x768xf32>,
    } else {
    }
    return
  }
  func.func @transform_0(%arg0: i32, %arg1: memref<8x128xi32, #tpu.memory_space<smem>>) -> (i32, i32) {
    %get3A = arith.constant 1 : index
    %get3A_0 = arith.index_cast %arg0 : i32 to index
    %get3A_1 = memref.load %arg1[%get3A, %get3A_0] : memref<8x128xi32, #tpu.memory_space<smem>>
    %c0_i32 = arith.constant 0 : i32
    %c0_i32_2 = arith.constant 0 : i32
    return %get3A_1, %c0_i32 : i32, i32
  }
  func.func @transform_1(%arg0: i32, %arg1: memref<8x128xi32, #tpu.memory_space<smem>>) -> (i32, i32, i32) {
    %get3A = arith.constant 2 : index
    %get3A_0 = arith.index_cast %arg0 : i32 to index
    %get3A_1 = memref.load %arg1[%get3A, %get3A_0] : memref<8x128xi32, #tpu.memory_space<smem>>
    %c0_i32 = arith.constant 0 : i32
    %c0_i32_2 = arith.constant 0 : i32
    %c0_i32_3 = arith.constant 0 : i32
    return %get3A_1, %c0_i32, %c0_i32_2 : i32, i32, i32
  }
  func.func @transform_2(%arg0: i32, %arg1: memref<8x128xi32, #tpu.memory_space<smem>>) -> (i32, i32, i32) {
    %get3A = arith.constant 2 : index
    %get3A_0 = arith.index_cast %arg0 : i32 to index
    %get3A_1 = memref.load %arg1[%get3A, %get3A_0] : memref<8x128xi32, #tpu.memory_space<smem>>
    %c0_i32 = arith.constant 0 : i32
    %c0_i32_2 = arith.constant 0 : i32
    %c0_i32_3 = arith.constant 0 : i32
    return %get3A_1, %c0_i32, %c0_i32_2 : i32, i32, i32
  }
  func.func @transform_3(%arg0: i32, %arg1: memref<8x128xi32, #tpu.memory_space<smem>>) -> (i32, i32, i32) {
    %get3A = arith.constant 2 : index
    %get3A_0 = arith.index_cast %arg0 : i32 to index
    %get3A_1 = memref.load %arg1[%get3A, %get3A_0] : memref<8x128xi32, #tpu.memory_space<smem>>
    %c0_i32 = arith.constant 0 : i32
    %c0_i32_2 = arith.constant 0 : i32
    %c0_i32_3 = arith.constant 0 : i32
    return %get3A_1, %c0_i32, %c0_i32_2 : i32, i32, i32
  }
  func.func @transform_4(%arg0: i32, %arg1: memref<8x128xi32, #tpu.memory_space<smem>>) -> (i32, i32, i32) {
    %get3A = arith.constant 2 : index
    %get3A_0 = arith.index_cast %arg0 : i32 to index
    %get3A_1 = memref.load %arg1[%get3A, %get3A_0] : memref<8x128xi32, #tpu.memory_space<smem>>
    %c0_i32 = arith.constant 0 : i32
    %c0_i32_2 = arith.constant 0 : i32
    %c0_i32_3 = arith.constant 0 : i32
    return %get3A_1, %c0_i32, %c0_i32_2 : i32, i32, i32
  }
  func.func @transform_5(%arg0: i32, %arg1: memref<8x128xi32, #tpu.memory_space<smem>>) -> (i32, i32) {
    %get3A = arith.constant 1 : index
    %get3A_0 = arith.index_cast %arg0 : i32 to index
    %get3A_1 = memref.load %arg1[%get3A, %get3A_0] : memref<8x128xi32, #tpu.memory_space<smem>>
    %c0_i32 = arith.constant 0 : i32
    %c0_i32_2 = arith.constant 0 : i32
    return %get3A_1, %c0_i32 : i32, i32
  }
}

module attributes {stable_mosaic.version = 14 : i64} {
  func.func @_router_body(%arg0: i32, %arg1: memref<2048x768xf32, #tpu.memory_space<vmem>>, %arg2: memref<768x128xf32, #tpu.memory_space<vmem>>, %arg3: memref<16x128xi32, #tpu.memory_space<vmem>>, %arg4: memref<16x128xi32, #tpu.memory_space<vmem>>, %arg5: memref<32x128xi32, #tpu.memory_space<vmem>>, %arg6: memref<8x128xi32, #tpu.memory_space<vmem>>, %arg7: memref<1x1xf32, #tpu.memory_space<vmem>>, %arg8: memref<1x128xf32, #tpu.memory_space<vmem>>, %arg9: memref<32x128xf32, #tpu.memory_space<vmem>>) attributes {dimension_semantics = [#tpu.dimension_semantics<arbitrary>], iteration_bounds = array<i64: 2>, scalar_prefetch = 0 : i64, scratch_operands = 2 : i64, tpu.core_type = #tpu.core_type<tc>, window_params = [{transform_indices = @transform_0, window_bounds = array<i64: 2048, 768>}, {pipeline_mode = #tpu.pipeline_mode<synchronous>, transform_indices = @transform_1, window_bounds = array<i64: 768, 128>}, {transform_indices = @transform_2, window_bounds = array<i64: 16, 128>}, {transform_indices = @transform_3, window_bounds = array<i64: 16, 128>}, {pipeline_mode = #tpu.pipeline_mode<synchronous>, transform_indices = @transform_4, window_bounds = array<i64: 32, 128>}, {pipeline_mode = #tpu.pipeline_mode<synchronous>, transform_indices = @transform_5, window_bounds = array<i64: 8, 128>}, {pipeline_mode = #tpu.pipeline_mode<synchronous>, transform_indices = @transform_6, window_bounds = array<i64: 1, 1>}]} {
    %get3A = arith.constant 0 : index
    %get3A_0 = arith.constant 0 : index
    %get3A_1 = vector.load %arg1[%get3A, %get3A_0] : memref<2048x768xf32, #tpu.memory_space<vmem>>, vector<2048x768xf32>
    %get3A_2 = arith.constant 0 : index
    %get3A_3 = arith.constant 0 : index
    %get3A_4 = vector.load %arg2[%get3A_2, %get3A_3] : memref<768x128xf32, #tpu.memory_space<vmem>>, vector<768x128xf32>
    %dot_general3A = arith.constant dense<0.000000e+00> : vector<2048x128xf32>
    %dot_general3A_5 = tpu.matmul %get3A_1, %get3A_4, %dot_general3A {dimension_numbers = #tpu.dot_dimension_numbers<[1], [0], [0], [1], [0, 0, 1, 1], [], []>, transpose_lhs_hint = false} : vector<2048x768xf32>, vector<768x128xf32>, vector<2048x128xf32> -> vector<2048x128xf32>
    %iota3A = tpu.iota {dimensions = array<i32: 1>} : vector<2048x128xi32>
    %lt3A = arith.constant 8 : i32
    %lt3A_6 = vector.broadcast %lt3A : i32 to vector<2048x128xi32>
    %lt3A_7 = arith.cmpi slt, %iota3A, %lt3A_6 : vector<2048x128xi32>
    %jit3A = arith.constant 0xFF800000 : f32
    %broadcast_in_dim3A = vector.broadcast %jit3A : f32 to vector<2048x128xf32>
    %select_n3A = arith.select %lt3A_7, %dot_general3A_5, %broadcast_in_dim3A : vector<2048x128xi1>, vector<2048x128xf32>
    %reduce_max3A = arith.constant dense<0xFF800000> : vector<2048xf32>
    %reduce_max3A_8 = vector.multi_reduction <maximumf>, %select_n3A, %reduce_max3A [1] : vector<2048x128xf32> to vector<2048xf32>
    %broadcast_in_dim3A_9 = vector.shape_cast %reduce_max3A_8 : vector<2048xf32> to vector<2048x1xf32>
    %eq3A = vector.broadcast %broadcast_in_dim3A_9 : vector<2048x1xf32> to vector<2048x128xf32>
    %eq3A_10 = arith.cmpf oeq, %select_n3A, %eq3A : vector<2048x128xf32>
    %jit3A_11 = arith.constant 1073741824 : i32
    %broadcast_in_dim3A_12 = vector.broadcast %jit3A_11 : i32 to vector<2048x128xi32>
    %select_n3A_13 = arith.select %eq3A_10, %iota3A, %broadcast_in_dim3A_12 : vector<2048x128xi1>, vector<2048x128xi32>
    %reduce_min3A = arith.constant dense<2147483647> : vector<2048xi32>
    %reduce_min3A_14 = vector.multi_reduction <minsi>, %select_n3A_13, %reduce_min3A [1] : vector<2048x128xi32> to vector<2048xi32>
    %broadcast_in_dim3A_15 = vector.shape_cast %reduce_min3A_14 : vector<2048xi32> to vector<2048x1xi32>
    %eq3A_16 = vector.broadcast %broadcast_in_dim3A_15 : vector<2048x1xi32> to vector<2048x128xi32>
    %eq3A_17 = arith.cmpi eq, %iota3A, %eq3A_16 : vector<2048x128xi32>
    %lt3A_18 = arith.constant 8 : i32
    %lt3A_19 = vector.broadcast %lt3A_18 : i32 to vector<2048x128xi32>
    %lt3A_20 = arith.cmpi slt, %iota3A, %lt3A_19 : vector<2048x128xi32>
    %and3A = arith.andi %eq3A_17, %lt3A_20 : vector<2048x128xi1>
    %jit3A_21 = arith.constant 1.000000e+00 : f32
    %jit3A_22 = arith.constant 0.000000e+00 : f32
    %broadcast_in_dim3A_23 = vector.broadcast %jit3A_21 : f32 to vector<2048x128xf32>
    %broadcast_in_dim3A_24 = vector.broadcast %jit3A_22 : f32 to vector<2048x128xf32>
    %select_n3A_25 = arith.select %and3A, %broadcast_in_dim3A_23, %broadcast_in_dim3A_24 : vector<2048x128xi1>, vector<2048x128xf32>
    %iota3A_26 = tpu.iota {dimensions = array<i32: 0>} : vector<128x128xi32>
    %iota3A_27 = tpu.iota {dimensions = array<i32: 1>} : vector<128x128xi32>
    %lt3A_28 = arith.cmpi slt, %iota3A_27, %iota3A_26 : vector<128x128xi32>
    %jit3A_29 = arith.constant 1.000000e+00 : f32
    %jit3A_30 = arith.constant 0.000000e+00 : f32
    %broadcast_in_dim3A_31 = vector.broadcast %jit3A_29 : f32 to vector<128x128xf32>
    %broadcast_in_dim3A_32 = vector.broadcast %jit3A_30 : f32 to vector<128x128xf32>
    %select_n3A_33 = arith.select %lt3A_28, %broadcast_in_dim3A_31, %broadcast_in_dim3A_32 : vector<128x128xi1>, vector<128x128xf32>
    %slice3A = vector.extract_strided_slice %select_n3A_25 {offsets = [0, 0], sizes = [128, 128], strides = [1, 1]} : vector<2048x128xf32> to vector<128x128xf32>
    %reduce_sum3A = arith.constant dense<0.000000e+00> : vector<128xf32>
    %reduce_sum3A_34 = vector.multi_reduction <add>, %slice3A, %reduce_sum3A [0] : vector<128x128xf32> to vector<128xf32>
    %broadcast_in_dim3A_35 = vector.shape_cast %reduce_sum3A_34 : vector<128xf32> to vector<1x128xf32>
    %mul3A = arith.constant 16 : i32
    %mul3A_36 = arith.muli %arg0, %mul3A : i32
    %add3A = arith.constant 0 : i32
    %add3A_37 = arith.addi %mul3A_36, %add3A : i32
    %swap3A = arith.index_cast %add3A_37 : i32 to index
    %swap3A_38 = arith.constant 0 : index
    %swap3A_39 = vector.load %arg9[%swap3A, %swap3A_38] : memref<32x128xf32, #tpu.memory_space<vmem>>, vector<1x128xf32>
    tpu.vector_store %arg9[%swap3A, %swap3A_38], %broadcast_in_dim3A_35 {strides = array<i32>} : memref<32x128xf32, #tpu.memory_space<vmem>>, vector<1x128xf32>,
    %dot_general3A_40 = arith.constant dense<0.000000e+00> : vector<128x128xf32>
    %dot_general3A_41 = tpu.matmul %select_n3A_33, %slice3A, %dot_general3A_40 {dimension_numbers = #tpu.dot_dimension_numbers<[1], [0], [0], [1], [0, 0, 1, 1], [], []>, transpose_lhs_hint = false} : vector<128x128xf32>, vector<128x128xf32>, vector<128x128xf32> -> vector<128x128xf32>
    %mul3A_42 = arith.mulf %dot_general3A_41, %slice3A : vector<128x128xf32>
    %reduce_sum3A_43 = arith.constant dense<0.000000e+00> : vector<128xf32>
    %reduce_sum3A_44 = vector.multi_reduction <add>, %mul3A_42, %reduce_sum3A_43 [1] : vector<128x128xf32> to vector<128xf32>
    %broadcast_in_dim3A_45 = vector.shape_cast %reduce_sum3A_44 : vector<128xf32> to vector<128x1xf32>
    %convert_element_type3A = arith.fptosi %broadcast_in_dim3A_45 : vector<128x1xf32> to vector<128x1xi32>
    %slice3A_46 = vector.extract_strided_slice %broadcast_in_dim3A_15 {offsets = [0, 0], sizes = [128, 1], strides = [1, 1]} : vector<2048x1xi32> to vector<128x1xi32>
    %transpose3A = tpu.transpose %slice3A_46, [1, 0] : vector<128x1xi32> -> vector<1x128xi32>
    %transpose3A_47 = tpu.transpose %convert_element_type3A, [1, 0] : vector<128x1xi32> -> vector<1x128xi32>
    %slice3A_48 = vector.extract_strided_slice %select_n3A_25 {offsets = [128, 0], sizes = [128, 128], strides = [1, 1]} : vector<2048x128xf32> to vector<128x128xf32>
    %reduce_sum3A_49 = arith.constant dense<0.000000e+00> : vector<128xf32>
    %reduce_sum3A_50 = vector.multi_reduction <add>, %slice3A_48, %reduce_sum3A_49 [0] : vector<128x128xf32> to vector<128xf32>
    %broadcast_in_dim3A_51 = vector.shape_cast %reduce_sum3A_50 : vector<128xf32> to vector<1x128xf32>
    %mul3A_52 = arith.constant 16 : i32
    %mul3A_53 = arith.muli %arg0, %mul3A_52 : i32
    %add3A_54 = arith.constant 1 : i32
    %add3A_55 = arith.addi %mul3A_53, %add3A_54 : i32
    %swap3A_56 = arith.index_cast %add3A_55 : i32 to index
    %swap3A_57 = arith.constant 0 : index
    %swap3A_58 = vector.load %arg9[%swap3A_56, %swap3A_57] : memref<32x128xf32, #tpu.memory_space<vmem>>, vector<1x128xf32>
    tpu.vector_store %arg9[%swap3A_56, %swap3A_57], %broadcast_in_dim3A_51 {strides = array<i32>} : memref<32x128xf32, #tpu.memory_space<vmem>>, vector<1x128xf32>,
    %dot_general3A_59 = arith.constant dense<0.000000e+00> : vector<128x128xf32>
    %dot_general3A_60 = tpu.matmul %select_n3A_33, %slice3A_48, %dot_general3A_59 {dimension_numbers = #tpu.dot_dimension_numbers<[1], [0], [0], [1], [0, 0, 1, 1], [], []>, transpose_lhs_hint = false} : vector<128x128xf32>, vector<128x128xf32>, vector<128x128xf32> -> vector<128x128xf32>
    %mul3A_61 = arith.mulf %dot_general3A_60, %slice3A_48 : vector<128x128xf32>
    %reduce_sum3A_62 = arith.constant dense<0.000000e+00> : vector<128xf32>
    %reduce_sum3A_63 = vector.multi_reduction <add>, %mul3A_61, %reduce_sum3A_62 [1] : vector<128x128xf32> to vector<128xf32>
    %broadcast_in_dim3A_64 = vector.shape_cast %reduce_sum3A_63 : vector<128xf32> to vector<128x1xf32>
    %convert_element_type3A_65 = arith.fptosi %broadcast_in_dim3A_64 : vector<128x1xf32> to vector<128x1xi32>
    %slice3A_66 = vector.extract_strided_slice %broadcast_in_dim3A_15 {offsets = [128, 0], sizes = [128, 1], strides = [1, 1]} : vector<2048x1xi32> to vector<128x1xi32>
    %transpose3A_67 = tpu.transpose %slice3A_66, [1, 0] : vector<128x1xi32> -> vector<1x128xi32>
    %transpose3A_68 = tpu.transpose %convert_element_type3A_65, [1, 0] : vector<128x1xi32> -> vector<1x128xi32>
    %slice3A_69 = vector.extract_strided_slice %select_n3A_25 {offsets = [256, 0], sizes = [128, 128], strides = [1, 1]} : vector<2048x128xf32> to vector<128x128xf32>
    %reduce_sum3A_70 = arith.constant dense<0.000000e+00> : vector<128xf32>
    %reduce_sum3A_71 = vector.multi_reduction <add>, %slice3A_69, %reduce_sum3A_70 [0] : vector<128x128xf32> to vector<128xf32>
    %broadcast_in_dim3A_72 = vector.shape_cast %reduce_sum3A_71 : vector<128xf32> to vector<1x128xf32>
    %mul3A_73 = arith.constant 16 : i32
    %mul3A_74 = arith.muli %arg0, %mul3A_73 : i32
    %add3A_75 = arith.constant 2 : i32
    %add3A_76 = arith.addi %mul3A_74, %add3A_75 : i32
    %swap3A_77 = arith.index_cast %add3A_76 : i32 to index
    %swap3A_78 = arith.constant 0 : index
    %swap3A_79 = vector.load %arg9[%swap3A_77, %swap3A_78] : memref<32x128xf32, #tpu.memory_space<vmem>>, vector<1x128xf32>
    tpu.vector_store %arg9[%swap3A_77, %swap3A_78], %broadcast_in_dim3A_72 {strides = array<i32>} : memref<32x128xf32, #tpu.memory_space<vmem>>, vector<1x128xf32>,
    %dot_general3A_80 = arith.constant dense<0.000000e+00> : vector<128x128xf32>
    %dot_general3A_81 = tpu.matmul %select_n3A_33, %slice3A_69, %dot_general3A_80 {dimension_numbers = #tpu.dot_dimension_numbers<[1], [0], [0], [1], [0, 0, 1, 1], [], []>, transpose_lhs_hint = false} : vector<128x128xf32>, vector<128x128xf32>, vector<128x128xf32> -> vector<128x128xf32>
    %mul3A_82 = arith.mulf %dot_general3A_81, %slice3A_69 : vector<128x128xf32>
    %reduce_sum3A_83 = arith.constant dense<0.000000e+00> : vector<128xf32>
    %reduce_sum3A_84 = vector.multi_reduction <add>, %mul3A_82, %reduce_sum3A_83 [1] : vector<128x128xf32> to vector<128xf32>
    %broadcast_in_dim3A_85 = vector.shape_cast %reduce_sum3A_84 : vector<128xf32> to vector<128x1xf32>
    %convert_element_type3A_86 = arith.fptosi %broadcast_in_dim3A_85 : vector<128x1xf32> to vector<128x1xi32>
    %slice3A_87 = vector.extract_strided_slice %broadcast_in_dim3A_15 {offsets = [256, 0], sizes = [128, 1], strides = [1, 1]} : vector<2048x1xi32> to vector<128x1xi32>
    %transpose3A_88 = tpu.transpose %slice3A_87, [1, 0] : vector<128x1xi32> -> vector<1x128xi32>
    %transpose3A_89 = tpu.transpose %convert_element_type3A_86, [1, 0] : vector<128x1xi32> -> vector<1x128xi32>
    %slice3A_90 = vector.extract_strided_slice %select_n3A_25 {offsets = [384, 0], sizes = [128, 128], strides = [1, 1]} : vector<2048x128xf32> to vector<128x128xf32>
    %reduce_sum3A_91 = arith.constant dense<0.000000e+00> : vector<128xf32>
    %reduce_sum3A_92 = vector.multi_reduction <add>, %slice3A_90, %reduce_sum3A_91 [0] : vector<128x128xf32> to vector<128xf32>
    %broadcast_in_dim3A_93 = vector.shape_cast %reduce_sum3A_92 : vector<128xf32> to vector<1x128xf32>
    %mul3A_94 = arith.constant 16 : i32
    %mul3A_95 = arith.muli %arg0, %mul3A_94 : i32
    %add3A_96 = arith.constant 3 : i32
    %add3A_97 = arith.addi %mul3A_95, %add3A_96 : i32
    %swap3A_98 = arith.index_cast %add3A_97 : i32 to index
    %swap3A_99 = arith.constant 0 : index
    %swap3A_100 = vector.load %arg9[%swap3A_98, %swap3A_99] : memref<32x128xf32, #tpu.memory_space<vmem>>, vector<1x128xf32>
    tpu.vector_store %arg9[%swap3A_98, %swap3A_99], %broadcast_in_dim3A_93 {strides = array<i32>} : memref<32x128xf32, #tpu.memory_space<vmem>>, vector<1x128xf32>,
    %dot_general3A_101 = arith.constant dense<0.000000e+00> : vector<128x128xf32>
    %dot_general3A_102 = tpu.matmul %select_n3A_33, %slice3A_90, %dot_general3A_101 {dimension_numbers = #tpu.dot_dimension_numbers<[1], [0], [0], [1], [0, 0, 1, 1], [], []>, transpose_lhs_hint = false} : vector<128x128xf32>, vector<128x128xf32>, vector<128x128xf32> -> vector<128x128xf32>
    %mul3A_103 = arith.mulf %dot_general3A_102, %slice3A_90 : vector<128x128xf32>
    %reduce_sum3A_104 = arith.constant dense<0.000000e+00> : vector<128xf32>
    %reduce_sum3A_105 = vector.multi_reduction <add>, %mul3A_103, %reduce_sum3A_104 [1] : vector<128x128xf32> to vector<128xf32>
    %broadcast_in_dim3A_106 = vector.shape_cast %reduce_sum3A_105 : vector<128xf32> to vector<128x1xf32>
    %convert_element_type3A_107 = arith.fptosi %broadcast_in_dim3A_106 : vector<128x1xf32> to vector<128x1xi32>
    %slice3A_108 = vector.extract_strided_slice %broadcast_in_dim3A_15 {offsets = [384, 0], sizes = [128, 1], strides = [1, 1]} : vector<2048x1xi32> to vector<128x1xi32>
    %transpose3A_109 = tpu.transpose %slice3A_108, [1, 0] : vector<128x1xi32> -> vector<1x128xi32>
    %transpose3A_110 = tpu.transpose %convert_element_type3A_107, [1, 0] : vector<128x1xi32> -> vector<1x128xi32>
    %slice3A_111 = vector.extract_strided_slice %select_n3A_25 {offsets = [512, 0], sizes = [128, 128], strides = [1, 1]} : vector<2048x128xf32> to vector<128x128xf32>
    %reduce_sum3A_112 = arith.constant dense<0.000000e+00> : vector<128xf32>
    %reduce_sum3A_113 = vector.multi_reduction <add>, %slice3A_111, %reduce_sum3A_112 [0] : vector<128x128xf32> to vector<128xf32>
    %broadcast_in_dim3A_114 = vector.shape_cast %reduce_sum3A_113 : vector<128xf32> to vector<1x128xf32>
    %mul3A_115 = arith.constant 16 : i32
    %mul3A_116 = arith.muli %arg0, %mul3A_115 : i32
    %add3A_117 = arith.constant 4 : i32
    %add3A_118 = arith.addi %mul3A_116, %add3A_117 : i32
    %swap3A_119 = arith.index_cast %add3A_118 : i32 to index
    %swap3A_120 = arith.constant 0 : index
    %swap3A_121 = vector.load %arg9[%swap3A_119, %swap3A_120] : memref<32x128xf32, #tpu.memory_space<vmem>>, vector<1x128xf32>
    tpu.vector_store %arg9[%swap3A_119, %swap3A_120], %broadcast_in_dim3A_114 {strides = array<i32>} : memref<32x128xf32, #tpu.memory_space<vmem>>, vector<1x128xf32>,
    %dot_general3A_122 = arith.constant dense<0.000000e+00> : vector<128x128xf32>
    %dot_general3A_123 = tpu.matmul %select_n3A_33, %slice3A_111, %dot_general3A_122 {dimension_numbers = #tpu.dot_dimension_numbers<[1], [0], [0], [1], [0, 0, 1, 1], [], []>, transpose_lhs_hint = false} : vector<128x128xf32>, vector<128x128xf32>, vector<128x128xf32> -> vector<128x128xf32>
    %mul3A_124 = arith.mulf %dot_general3A_123, %slice3A_111 : vector<128x128xf32>
    %reduce_sum3A_125 = arith.constant dense<0.000000e+00> : vector<128xf32>
    %reduce_sum3A_126 = vector.multi_reduction <add>, %mul3A_124, %reduce_sum3A_125 [1] : vector<128x128xf32> to vector<128xf32>
    %broadcast_in_dim3A_127 = vector.shape_cast %reduce_sum3A_126 : vector<128xf32> to vector<128x1xf32>
    %convert_element_type3A_128 = arith.fptosi %broadcast_in_dim3A_127 : vector<128x1xf32> to vector<128x1xi32>
    %slice3A_129 = vector.extract_strided_slice %broadcast_in_dim3A_15 {offsets = [512, 0], sizes = [128, 1], strides = [1, 1]} : vector<2048x1xi32> to vector<128x1xi32>
    %transpose3A_130 = tpu.transpose %slice3A_129, [1, 0] : vector<128x1xi32> -> vector<1x128xi32>
    %transpose3A_131 = tpu.transpose %convert_element_type3A_128, [1, 0] : vector<128x1xi32> -> vector<1x128xi32>
    %slice3A_132 = vector.extract_strided_slice %select_n3A_25 {offsets = [640, 0], sizes = [128, 128], strides = [1, 1]} : vector<2048x128xf32> to vector<128x128xf32>
    %reduce_sum3A_133 = arith.constant dense<0.000000e+00> : vector<128xf32>
    %reduce_sum3A_134 = vector.multi_reduction <add>, %slice3A_132, %reduce_sum3A_133 [0] : vector<128x128xf32> to vector<128xf32>
    %broadcast_in_dim3A_135 = vector.shape_cast %reduce_sum3A_134 : vector<128xf32> to vector<1x128xf32>
    %mul3A_136 = arith.constant 16 : i32
    %mul3A_137 = arith.muli %arg0, %mul3A_136 : i32
    %add3A_138 = arith.constant 5 : i32
    %add3A_139 = arith.addi %mul3A_137, %add3A_138 : i32
    %swap3A_140 = arith.index_cast %add3A_139 : i32 to index
    %swap3A_141 = arith.constant 0 : index
    %swap3A_142 = vector.load %arg9[%swap3A_140, %swap3A_141] : memref<32x128xf32, #tpu.memory_space<vmem>>, vector<1x128xf32>
    tpu.vector_store %arg9[%swap3A_140, %swap3A_141], %broadcast_in_dim3A_135 {strides = array<i32>} : memref<32x128xf32, #tpu.memory_space<vmem>>, vector<1x128xf32>,
    %dot_general3A_143 = arith.constant dense<0.000000e+00> : vector<128x128xf32>
    %dot_general3A_144 = tpu.matmul %select_n3A_33, %slice3A_132, %dot_general3A_143 {dimension_numbers = #tpu.dot_dimension_numbers<[1], [0], [0], [1], [0, 0, 1, 1], [], []>, transpose_lhs_hint = false} : vector<128x128xf32>, vector<128x128xf32>, vector<128x128xf32> -> vector<128x128xf32>
    %mul3A_145 = arith.mulf %dot_general3A_144, %slice3A_132 : vector<128x128xf32>
    %reduce_sum3A_146 = arith.constant dense<0.000000e+00> : vector<128xf32>
    %reduce_sum3A_147 = vector.multi_reduction <add>, %mul3A_145, %reduce_sum3A_146 [1] : vector<128x128xf32> to vector<128xf32>
    %broadcast_in_dim3A_148 = vector.shape_cast %reduce_sum3A_147 : vector<128xf32> to vector<128x1xf32>
    %convert_element_type3A_149 = arith.fptosi %broadcast_in_dim3A_148 : vector<128x1xf32> to vector<128x1xi32>
    %slice3A_150 = vector.extract_strided_slice %broadcast_in_dim3A_15 {offsets = [640, 0], sizes = [128, 1], strides = [1, 1]} : vector<2048x1xi32> to vector<128x1xi32>
    %transpose3A_151 = tpu.transpose %slice3A_150, [1, 0] : vector<128x1xi32> -> vector<1x128xi32>
    %transpose3A_152 = tpu.transpose %convert_element_type3A_149, [1, 0] : vector<128x1xi32> -> vector<1x128xi32>
    %slice3A_153 = vector.extract_strided_slice %select_n3A_25 {offsets = [768, 0], sizes = [128, 128], strides = [1, 1]} : vector<2048x128xf32> to vector<128x128xf32>
    %reduce_sum3A_154 = arith.constant dense<0.000000e+00> : vector<128xf32>
    %reduce_sum3A_155 = vector.multi_reduction <add>, %slice3A_153, %reduce_sum3A_154 [0] : vector<128x128xf32> to vector<128xf32>
    %broadcast_in_dim3A_156 = vector.shape_cast %reduce_sum3A_155 : vector<128xf32> to vector<1x128xf32>
    %mul3A_157 = arith.constant 16 : i32
    %mul3A_158 = arith.muli %arg0, %mul3A_157 : i32
    %add3A_159 = arith.constant 6 : i32
    %add3A_160 = arith.addi %mul3A_158, %add3A_159 : i32
    %swap3A_161 = arith.index_cast %add3A_160 : i32 to index
    %swap3A_162 = arith.constant 0 : index
    %swap3A_163 = vector.load %arg9[%swap3A_161, %swap3A_162] : memref<32x128xf32, #tpu.memory_space<vmem>>, vector<1x128xf32>
    tpu.vector_store %arg9[%swap3A_161, %swap3A_162], %broadcast_in_dim3A_156 {strides = array<i32>} : memref<32x128xf32, #tpu.memory_space<vmem>>, vector<1x128xf32>,
    %dot_general3A_164 = arith.constant dense<0.000000e+00> : vector<128x128xf32>
    %dot_general3A_165 = tpu.matmul %select_n3A_33, %slice3A_153, %dot_general3A_164 {dimension_numbers = #tpu.dot_dimension_numbers<[1], [0], [0], [1], [0, 0, 1, 1], [], []>, transpose_lhs_hint = false} : vector<128x128xf32>, vector<128x128xf32>, vector<128x128xf32> -> vector<128x128xf32>
    %mul3A_166 = arith.mulf %dot_general3A_165, %slice3A_153 : vector<128x128xf32>
    %reduce_sum3A_167 = arith.constant dense<0.000000e+00> : vector<128xf32>
    %reduce_sum3A_168 = vector.multi_reduction <add>, %mul3A_166, %reduce_sum3A_167 [1] : vector<128x128xf32> to vector<128xf32>
    %broadcast_in_dim3A_169 = vector.shape_cast %reduce_sum3A_168 : vector<128xf32> to vector<128x1xf32>
    %convert_element_type3A_170 = arith.fptosi %broadcast_in_dim3A_169 : vector<128x1xf32> to vector<128x1xi32>
    %slice3A_171 = vector.extract_strided_slice %broadcast_in_dim3A_15 {offsets = [768, 0], sizes = [128, 1], strides = [1, 1]} : vector<2048x1xi32> to vector<128x1xi32>
    %transpose3A_172 = tpu.transpose %slice3A_171, [1, 0] : vector<128x1xi32> -> vector<1x128xi32>
    %transpose3A_173 = tpu.transpose %convert_element_type3A_170, [1, 0] : vector<128x1xi32> -> vector<1x128xi32>
    %slice3A_174 = vector.extract_strided_slice %select_n3A_25 {offsets = [896, 0], sizes = [128, 128], strides = [1, 1]} : vector<2048x128xf32> to vector<128x128xf32>
    %reduce_sum3A_175 = arith.constant dense<0.000000e+00> : vector<128xf32>
    %reduce_sum3A_176 = vector.multi_reduction <add>, %slice3A_174, %reduce_sum3A_175 [0] : vector<128x128xf32> to vector<128xf32>
    %broadcast_in_dim3A_177 = vector.shape_cast %reduce_sum3A_176 : vector<128xf32> to vector<1x128xf32>
    %mul3A_178 = arith.constant 16 : i32
    %mul3A_179 = arith.muli %arg0, %mul3A_178 : i32
    %add3A_180 = arith.constant 7 : i32
    %add3A_181 = arith.addi %mul3A_179, %add3A_180 : i32
    %swap3A_182 = arith.index_cast %add3A_181 : i32 to index
    %swap3A_183 = arith.constant 0 : index
    %swap3A_184 = vector.load %arg9[%swap3A_182, %swap3A_183] : memref<32x128xf32, #tpu.memory_space<vmem>>, vector<1x128xf32>
    tpu.vector_store %arg9[%swap3A_182, %swap3A_183], %broadcast_in_dim3A_177 {strides = array<i32>} : memref<32x128xf32, #tpu.memory_space<vmem>>, vector<1x128xf32>,
    %dot_general3A_185 = arith.constant dense<0.000000e+00> : vector<128x128xf32>
    %dot_general3A_186 = tpu.matmul %select_n3A_33, %slice3A_174, %dot_general3A_185 {dimension_numbers = #tpu.dot_dimension_numbers<[1], [0], [0], [1], [0, 0, 1, 1], [], []>, transpose_lhs_hint = false} : vector<128x128xf32>, vector<128x128xf32>, vector<128x128xf32> -> vector<128x128xf32>
    %mul3A_187 = arith.mulf %dot_general3A_186, %slice3A_174 : vector<128x128xf32>
    %reduce_sum3A_188 = arith.constant dense<0.000000e+00> : vector<128xf32>
    %reduce_sum3A_189 = vector.multi_reduction <add>, %mul3A_187, %reduce_sum3A_188 [1] : vector<128x128xf32> to vector<128xf32>
    %broadcast_in_dim3A_190 = vector.shape_cast %reduce_sum3A_189 : vector<128xf32> to vector<128x1xf32>
    %convert_element_type3A_191 = arith.fptosi %broadcast_in_dim3A_190 : vector<128x1xf32> to vector<128x1xi32>
    %slice3A_192 = vector.extract_strided_slice %broadcast_in_dim3A_15 {offsets = [896, 0], sizes = [128, 1], strides = [1, 1]} : vector<2048x1xi32> to vector<128x1xi32>
    %transpose3A_193 = tpu.transpose %slice3A_192, [1, 0] : vector<128x1xi32> -> vector<1x128xi32>
    %transpose3A_194 = tpu.transpose %convert_element_type3A_191, [1, 0] : vector<128x1xi32> -> vector<1x128xi32>
    %slice3A_195 = vector.extract_strided_slice %select_n3A_25 {offsets = [1024, 0], sizes = [128, 128], strides = [1, 1]} : vector<2048x128xf32> to vector<128x128xf32>
    %reduce_sum3A_196 = arith.constant dense<0.000000e+00> : vector<128xf32>
    %reduce_sum3A_197 = vector.multi_reduction <add>, %slice3A_195, %reduce_sum3A_196 [0] : vector<128x128xf32> to vector<128xf32>
    %broadcast_in_dim3A_198 = vector.shape_cast %reduce_sum3A_197 : vector<128xf32> to vector<1x128xf32>
    %mul3A_199 = arith.constant 16 : i32
    %mul3A_200 = arith.muli %arg0, %mul3A_199 : i32
    %add3A_201 = arith.constant 8 : i32
    %add3A_202 = arith.addi %mul3A_200, %add3A_201 : i32
    %swap3A_203 = arith.index_cast %add3A_202 : i32 to index
    %swap3A_204 = arith.constant 0 : index
    %swap3A_205 = vector.load %arg9[%swap3A_203, %swap3A_204] : memref<32x128xf32, #tpu.memory_space<vmem>>, vector<1x128xf32>
    tpu.vector_store %arg9[%swap3A_203, %swap3A_204], %broadcast_in_dim3A_198 {strides = array<i32>} : memref<32x128xf32, #tpu.memory_space<vmem>>, vector<1x128xf32>,
    %dot_general3A_206 = arith.constant dense<0.000000e+00> : vector<128x128xf32>
    %dot_general3A_207 = tpu.matmul %select_n3A_33, %slice3A_195, %dot_general3A_206 {dimension_numbers = #tpu.dot_dimension_numbers<[1], [0], [0], [1], [0, 0, 1, 1], [], []>, transpose_lhs_hint = false} : vector<128x128xf32>, vector<128x128xf32>, vector<128x128xf32> -> vector<128x128xf32>
    %mul3A_208 = arith.mulf %dot_general3A_207, %slice3A_195 : vector<128x128xf32>
    %reduce_sum3A_209 = arith.constant dense<0.000000e+00> : vector<128xf32>
    %reduce_sum3A_210 = vector.multi_reduction <add>, %mul3A_208, %reduce_sum3A_209 [1] : vector<128x128xf32> to vector<128xf32>
    %broadcast_in_dim3A_211 = vector.shape_cast %reduce_sum3A_210 : vector<128xf32> to vector<128x1xf32>
    %convert_element_type3A_212 = arith.fptosi %broadcast_in_dim3A_211 : vector<128x1xf32> to vector<128x1xi32>
    %slice3A_213 = vector.extract_strided_slice %broadcast_in_dim3A_15 {offsets = [1024, 0], sizes = [128, 1], strides = [1, 1]} : vector<2048x1xi32> to vector<128x1xi32>
    %transpose3A_214 = tpu.transpose %slice3A_213, [1, 0] : vector<128x1xi32> -> vector<1x128xi32>
    %transpose3A_215 = tpu.transpose %convert_element_type3A_212, [1, 0] : vector<128x1xi32> -> vector<1x128xi32>
    %slice3A_216 = vector.extract_strided_slice %select_n3A_25 {offsets = [1152, 0], sizes = [128, 128], strides = [1, 1]} : vector<2048x128xf32> to vector<128x128xf32>
    %reduce_sum3A_217 = arith.constant dense<0.000000e+00> : vector<128xf32>
    %reduce_sum3A_218 = vector.multi_reduction <add>, %slice3A_216, %reduce_sum3A_217 [0] : vector<128x128xf32> to vector<128xf32>
    %broadcast_in_dim3A_219 = vector.shape_cast %reduce_sum3A_218 : vector<128xf32> to vector<1x128xf32>
    %mul3A_220 = arith.constant 16 : i32
    %mul3A_221 = arith.muli %arg0, %mul3A_220 : i32
    %add3A_222 = arith.constant 9 : i32
    %add3A_223 = arith.addi %mul3A_221, %add3A_222 : i32
    %swap3A_224 = arith.index_cast %add3A_223 : i32 to index
    %swap3A_225 = arith.constant 0 : index
    %swap3A_226 = vector.load %arg9[%swap3A_224, %swap3A_225] : memref<32x128xf32, #tpu.memory_space<vmem>>, vector<1x128xf32>
    tpu.vector_store %arg9[%swap3A_224, %swap3A_225], %broadcast_in_dim3A_219 {strides = array<i32>} : memref<32x128xf32, #tpu.memory_space<vmem>>, vector<1x128xf32>,
    %dot_general3A_227 = arith.constant dense<0.000000e+00> : vector<128x128xf32>
    %dot_general3A_228 = tpu.matmul %select_n3A_33, %slice3A_216, %dot_general3A_227 {dimension_numbers = #tpu.dot_dimension_numbers<[1], [0], [0], [1], [0, 0, 1, 1], [], []>, transpose_lhs_hint = false} : vector<128x128xf32>, vector<128x128xf32>, vector<128x128xf32> -> vector<128x128xf32>
    %mul3A_229 = arith.mulf %dot_general3A_228, %slice3A_216 : vector<128x128xf32>
    %reduce_sum3A_230 = arith.constant dense<0.000000e+00> : vector<128xf32>
    %reduce_sum3A_231 = vector.multi_reduction <add>, %mul3A_229, %reduce_sum3A_230 [1] : vector<128x128xf32> to vector<128xf32>
    %broadcast_in_dim3A_232 = vector.shape_cast %reduce_sum3A_231 : vector<128xf32> to vector<128x1xf32>
    %convert_element_type3A_233 = arith.fptosi %broadcast_in_dim3A_232 : vector<128x1xf32> to vector<128x1xi32>
    %slice3A_234 = vector.extract_strided_slice %broadcast_in_dim3A_15 {offsets = [1152, 0], sizes = [128, 1], strides = [1, 1]} : vector<2048x1xi32> to vector<128x1xi32>
    %transpose3A_235 = tpu.transpose %slice3A_234, [1, 0] : vector<128x1xi32> -> vector<1x128xi32>
    %transpose3A_236 = tpu.transpose %convert_element_type3A_233, [1, 0] : vector<128x1xi32> -> vector<1x128xi32>
    %slice3A_237 = vector.extract_strided_slice %select_n3A_25 {offsets = [1280, 0], sizes = [128, 128], strides = [1, 1]} : vector<2048x128xf32> to vector<128x128xf32>
    %reduce_sum3A_238 = arith.constant dense<0.000000e+00> : vector<128xf32>
    %reduce_sum3A_239 = vector.multi_reduction <add>, %slice3A_237, %reduce_sum3A_238 [0] : vector<128x128xf32> to vector<128xf32>
    %broadcast_in_dim3A_240 = vector.shape_cast %reduce_sum3A_239 : vector<128xf32> to vector<1x128xf32>
    %mul3A_241 = arith.constant 16 : i32
    %mul3A_242 = arith.muli %arg0, %mul3A_241 : i32
    %add3A_243 = arith.constant 10 : i32
    %add3A_244 = arith.addi %mul3A_242, %add3A_243 : i32
    %swap3A_245 = arith.index_cast %add3A_244 : i32 to index
    %swap3A_246 = arith.constant 0 : index
    %swap3A_247 = vector.load %arg9[%swap3A_245, %swap3A_246] : memref<32x128xf32, #tpu.memory_space<vmem>>, vector<1x128xf32>
    tpu.vector_store %arg9[%swap3A_245, %swap3A_246], %broadcast_in_dim3A_240 {strides = array<i32>} : memref<32x128xf32, #tpu.memory_space<vmem>>, vector<1x128xf32>,
    %dot_general3A_248 = arith.constant dense<0.000000e+00> : vector<128x128xf32>
    %dot_general3A_249 = tpu.matmul %select_n3A_33, %slice3A_237, %dot_general3A_248 {dimension_numbers = #tpu.dot_dimension_numbers<[1], [0], [0], [1], [0, 0, 1, 1], [], []>, transpose_lhs_hint = false} : vector<128x128xf32>, vector<128x128xf32>, vector<128x128xf32> -> vector<128x128xf32>
    %mul3A_250 = arith.mulf %dot_general3A_249, %slice3A_237 : vector<128x128xf32>
    %reduce_sum3A_251 = arith.constant dense<0.000000e+00> : vector<128xf32>
    %reduce_sum3A_252 = vector.multi_reduction <add>, %mul3A_250, %reduce_sum3A_251 [1] : vector<128x128xf32> to vector<128xf32>
    %broadcast_in_dim3A_253 = vector.shape_cast %reduce_sum3A_252 : vector<128xf32> to vector<128x1xf32>
    %convert_element_type3A_254 = arith.fptosi %broadcast_in_dim3A_253 : vector<128x1xf32> to vector<128x1xi32>
    %slice3A_255 = vector.extract_strided_slice %broadcast_in_dim3A_15 {offsets = [1280, 0], sizes = [128, 1], strides = [1, 1]} : vector<2048x1xi32> to vector<128x1xi32>
    %transpose3A_256 = tpu.transpose %slice3A_255, [1, 0] : vector<128x1xi32> -> vector<1x128xi32>
    %transpose3A_257 = tpu.transpose %convert_element_type3A_254, [1, 0] : vector<128x1xi32> -> vector<1x128xi32>
    %slice3A_258 = vector.extract_strided_slice %select_n3A_25 {offsets = [1408, 0], sizes = [128, 128], strides = [1, 1]} : vector<2048x128xf32> to vector<128x128xf32>
    %reduce_sum3A_259 = arith.constant dense<0.000000e+00> : vector<128xf32>
    %reduce_sum3A_260 = vector.multi_reduction <add>, %slice3A_258, %reduce_sum3A_259 [0] : vector<128x128xf32> to vector<128xf32>
    %broadcast_in_dim3A_261 = vector.shape_cast %reduce_sum3A_260 : vector<128xf32> to vector<1x128xf32>
    %mul3A_262 = arith.constant 16 : i32
    %mul3A_263 = arith.muli %arg0, %mul3A_262 : i32
    %add3A_264 = arith.constant 11 : i32
    %add3A_265 = arith.addi %mul3A_263, %add3A_264 : i32
    %swap3A_266 = arith.index_cast %add3A_265 : i32 to index
    %swap3A_267 = arith.constant 0 : index
    %swap3A_268 = vector.load %arg9[%swap3A_266, %swap3A_267] : memref<32x128xf32, #tpu.memory_space<vmem>>, vector<1x128xf32>
    tpu.vector_store %arg9[%swap3A_266, %swap3A_267], %broadcast_in_dim3A_261 {strides = array<i32>} : memref<32x128xf32, #tpu.memory_space<vmem>>, vector<1x128xf32>,
    %dot_general3A_269 = arith.constant dense<0.000000e+00> : vector<128x128xf32>
    %dot_general3A_270 = tpu.matmul %select_n3A_33, %slice3A_258, %dot_general3A_269 {dimension_numbers = #tpu.dot_dimension_numbers<[1], [0], [0], [1], [0, 0, 1, 1], [], []>, transpose_lhs_hint = false} : vector<128x128xf32>, vector<128x128xf32>, vector<128x128xf32> -> vector<128x128xf32>
    %mul3A_271 = arith.mulf %dot_general3A_270, %slice3A_258 : vector<128x128xf32>
    %reduce_sum3A_272 = arith.constant dense<0.000000e+00> : vector<128xf32>
    %reduce_sum3A_273 = vector.multi_reduction <add>, %mul3A_271, %reduce_sum3A_272 [1] : vector<128x128xf32> to vector<128xf32>
    %broadcast_in_dim3A_274 = vector.shape_cast %reduce_sum3A_273 : vector<128xf32> to vector<128x1xf32>
    %convert_element_type3A_275 = arith.fptosi %broadcast_in_dim3A_274 : vector<128x1xf32> to vector<128x1xi32>
    %slice3A_276 = vector.extract_strided_slice %broadcast_in_dim3A_15 {offsets = [1408, 0], sizes = [128, 1], strides = [1, 1]} : vector<2048x1xi32> to vector<128x1xi32>
    %transpose3A_277 = tpu.transpose %slice3A_276, [1, 0] : vector<128x1xi32> -> vector<1x128xi32>
    %transpose3A_278 = tpu.transpose %convert_element_type3A_275, [1, 0] : vector<128x1xi32> -> vector<1x128xi32>
    %slice3A_279 = vector.extract_strided_slice %select_n3A_25 {offsets = [1536, 0], sizes = [128, 128], strides = [1, 1]} : vector<2048x128xf32> to vector<128x128xf32>
    %reduce_sum3A_280 = arith.constant dense<0.000000e+00> : vector<128xf32>
    %reduce_sum3A_281 = vector.multi_reduction <add>, %slice3A_279, %reduce_sum3A_280 [0] : vector<128x128xf32> to vector<128xf32>
    %broadcast_in_dim3A_282 = vector.shape_cast %reduce_sum3A_281 : vector<128xf32> to vector<1x128xf32>
    %mul3A_283 = arith.constant 16 : i32
    %mul3A_284 = arith.muli %arg0, %mul3A_283 : i32
    %add3A_285 = arith.constant 12 : i32
    %add3A_286 = arith.addi %mul3A_284, %add3A_285 : i32
    %swap3A_287 = arith.index_cast %add3A_286 : i32 to index
    %swap3A_288 = arith.constant 0 : index
    %swap3A_289 = vector.load %arg9[%swap3A_287, %swap3A_288] : memref<32x128xf32, #tpu.memory_space<vmem>>, vector<1x128xf32>
    tpu.vector_store %arg9[%swap3A_287, %swap3A_288], %broadcast_in_dim3A_282 {strides = array<i32>} : memref<32x128xf32, #tpu.memory_space<vmem>>, vector<1x128xf32>,
    %dot_general3A_290 = arith.constant dense<0.000000e+00> : vector<128x128xf32>
    %dot_general3A_291 = tpu.matmul %select_n3A_33, %slice3A_279, %dot_general3A_290 {dimension_numbers = #tpu.dot_dimension_numbers<[1], [0], [0], [1], [0, 0, 1, 1], [], []>, transpose_lhs_hint = false} : vector<128x128xf32>, vector<128x128xf32>, vector<128x128xf32> -> vector<128x128xf32>
    %mul3A_292 = arith.mulf %dot_general3A_291, %slice3A_279 : vector<128x128xf32>
    %reduce_sum3A_293 = arith.constant dense<0.000000e+00> : vector<128xf32>
    %reduce_sum3A_294 = vector.multi_reduction <add>, %mul3A_292, %reduce_sum3A_293 [1] : vector<128x128xf32> to vector<128xf32>
    %broadcast_in_dim3A_295 = vector.shape_cast %reduce_sum3A_294 : vector<128xf32> to vector<128x1xf32>
    %convert_element_type3A_296 = arith.fptosi %broadcast_in_dim3A_295 : vector<128x1xf32> to vector<128x1xi32>
    %slice3A_297 = vector.extract_strided_slice %broadcast_in_dim3A_15 {offsets = [1536, 0], sizes = [128, 1], strides = [1, 1]} : vector<2048x1xi32> to vector<128x1xi32>
    %transpose3A_298 = tpu.transpose %slice3A_297, [1, 0] : vector<128x1xi32> -> vector<1x128xi32>
    %transpose3A_299 = tpu.transpose %convert_element_type3A_296, [1, 0] : vector<128x1xi32> -> vector<1x128xi32>
    %slice3A_300 = vector.extract_strided_slice %select_n3A_25 {offsets = [1664, 0], sizes = [128, 128], strides = [1, 1]} : vector<2048x128xf32> to vector<128x128xf32>
    %reduce_sum3A_301 = arith.constant dense<0.000000e+00> : vector<128xf32>
    %reduce_sum3A_302 = vector.multi_reduction <add>, %slice3A_300, %reduce_sum3A_301 [0] : vector<128x128xf32> to vector<128xf32>
    %broadcast_in_dim3A_303 = vector.shape_cast %reduce_sum3A_302 : vector<128xf32> to vector<1x128xf32>
    %mul3A_304 = arith.constant 16 : i32
    %mul3A_305 = arith.muli %arg0, %mul3A_304 : i32
    %add3A_306 = arith.constant 13 : i32
    %add3A_307 = arith.addi %mul3A_305, %add3A_306 : i32
    %swap3A_308 = arith.index_cast %add3A_307 : i32 to index
    %swap3A_309 = arith.constant 0 : index
    %swap3A_310 = vector.load %arg9[%swap3A_308, %swap3A_309] : memref<32x128xf32, #tpu.memory_space<vmem>>, vector<1x128xf32>
    tpu.vector_store %arg9[%swap3A_308, %swap3A_309], %broadcast_in_dim3A_303 {strides = array<i32>} : memref<32x128xf32, #tpu.memory_space<vmem>>, vector<1x128xf32>,
    %dot_general3A_311 = arith.constant dense<0.000000e+00> : vector<128x128xf32>
    %dot_general3A_312 = tpu.matmul %select_n3A_33, %slice3A_300, %dot_general3A_311 {dimension_numbers = #tpu.dot_dimension_numbers<[1], [0], [0], [1], [0, 0, 1, 1], [], []>, transpose_lhs_hint = false} : vector<128x128xf32>, vector<128x128xf32>, vector<128x128xf32> -> vector<128x128xf32>
    %mul3A_313 = arith.mulf %dot_general3A_312, %slice3A_300 : vector<128x128xf32>
    %reduce_sum3A_314 = arith.constant dense<0.000000e+00> : vector<128xf32>
    %reduce_sum3A_315 = vector.multi_reduction <add>, %mul3A_313, %reduce_sum3A_314 [1] : vector<128x128xf32> to vector<128xf32>
    %broadcast_in_dim3A_316 = vector.shape_cast %reduce_sum3A_315 : vector<128xf32> to vector<128x1xf32>
    %convert_element_type3A_317 = arith.fptosi %broadcast_in_dim3A_316 : vector<128x1xf32> to vector<128x1xi32>
    %slice3A_318 = vector.extract_strided_slice %broadcast_in_dim3A_15 {offsets = [1664, 0], sizes = [128, 1], strides = [1, 1]} : vector<2048x1xi32> to vector<128x1xi32>
    %transpose3A_319 = tpu.transpose %slice3A_318, [1, 0] : vector<128x1xi32> -> vector<1x128xi32>
    %transpose3A_320 = tpu.transpose %convert_element_type3A_317, [1, 0] : vector<128x1xi32> -> vector<1x128xi32>
    %slice3A_321 = vector.extract_strided_slice %select_n3A_25 {offsets = [1792, 0], sizes = [128, 128], strides = [1, 1]} : vector<2048x128xf32> to vector<128x128xf32>
    %reduce_sum3A_322 = arith.constant dense<0.000000e+00> : vector<128xf32>
    %reduce_sum3A_323 = vector.multi_reduction <add>, %slice3A_321, %reduce_sum3A_322 [0] : vector<128x128xf32> to vector<128xf32>
    %broadcast_in_dim3A_324 = vector.shape_cast %reduce_sum3A_323 : vector<128xf32> to vector<1x128xf32>
    %mul3A_325 = arith.constant 16 : i32
    %mul3A_326 = arith.muli %arg0, %mul3A_325 : i32
    %add3A_327 = arith.constant 14 : i32
    %add3A_328 = arith.addi %mul3A_326, %add3A_327 : i32
    %swap3A_329 = arith.index_cast %add3A_328 : i32 to index
    %swap3A_330 = arith.constant 0 : index
    %swap3A_331 = vector.load %arg9[%swap3A_329, %swap3A_330] : memref<32x128xf32, #tpu.memory_space<vmem>>, vector<1x128xf32>
    tpu.vector_store %arg9[%swap3A_329, %swap3A_330], %broadcast_in_dim3A_324 {strides = array<i32>} : memref<32x128xf32, #tpu.memory_space<vmem>>, vector<1x128xf32>,
    %dot_general3A_332 = arith.constant dense<0.000000e+00> : vector<128x128xf32>
    %dot_general3A_333 = tpu.matmul %select_n3A_33, %slice3A_321, %dot_general3A_332 {dimension_numbers = #tpu.dot_dimension_numbers<[1], [0], [0], [1], [0, 0, 1, 1], [], []>, transpose_lhs_hint = false} : vector<128x128xf32>, vector<128x128xf32>, vector<128x128xf32> -> vector<128x128xf32>
    %mul3A_334 = arith.mulf %dot_general3A_333, %slice3A_321 : vector<128x128xf32>
    %reduce_sum3A_335 = arith.constant dense<0.000000e+00> : vector<128xf32>
    %reduce_sum3A_336 = vector.multi_reduction <add>, %mul3A_334, %reduce_sum3A_335 [1] : vector<128x128xf32> to vector<128xf32>
    %broadcast_in_dim3A_337 = vector.shape_cast %reduce_sum3A_336 : vector<128xf32> to vector<128x1xf32>
    %convert_element_type3A_338 = arith.fptosi %broadcast_in_dim3A_337 : vector<128x1xf32> to vector<128x1xi32>
    %slice3A_339 = vector.extract_strided_slice %broadcast_in_dim3A_15 {offsets = [1792, 0], sizes = [128, 1], strides = [1, 1]} : vector<2048x1xi32> to vector<128x1xi32>
    %transpose3A_340 = tpu.transpose %slice3A_339, [1, 0] : vector<128x1xi32> -> vector<1x128xi32>
    %transpose3A_341 = tpu.transpose %convert_element_type3A_338, [1, 0] : vector<128x1xi32> -> vector<1x128xi32>
    %slice3A_342 = vector.extract_strided_slice %select_n3A_25 {offsets = [1920, 0], sizes = [128, 128], strides = [1, 1]} : vector<2048x128xf32> to vector<128x128xf32>
    %reduce_sum3A_343 = arith.constant dense<0.000000e+00> : vector<128xf32>
    %reduce_sum3A_344 = vector.multi_reduction <add>, %slice3A_342, %reduce_sum3A_343 [0] : vector<128x128xf32> to vector<128xf32>
    %broadcast_in_dim3A_345 = vector.shape_cast %reduce_sum3A_344 : vector<128xf32> to vector<1x128xf32>
    %mul3A_346 = arith.constant 16 : i32
    %mul3A_347 = arith.muli %arg0, %mul3A_346 : i32
    %add3A_348 = arith.constant 15 : i32
    %add3A_349 = arith.addi %mul3A_347, %add3A_348 : i32
    %swap3A_350 = arith.index_cast %add3A_349 : i32 to index
    %swap3A_351 = arith.constant 0 : index
    %swap3A_352 = vector.load %arg9[%swap3A_350, %swap3A_351] : memref<32x128xf32, #tpu.memory_space<vmem>>, vector<1x128xf32>
    tpu.vector_store %arg9[%swap3A_350, %swap3A_351], %broadcast_in_dim3A_345 {strides = array<i32>} : memref<32x128xf32, #tpu.memory_space<vmem>>, vector<1x128xf32>,
    %dot_general3A_353 = arith.constant dense<0.000000e+00> : vector<128x128xf32>
    %dot_general3A_354 = tpu.matmul %select_n3A_33, %slice3A_342, %dot_general3A_353 {dimension_numbers = #tpu.dot_dimension_numbers<[1], [0], [0], [1], [0, 0, 1, 1], [], []>, transpose_lhs_hint = false} : vector<128x128xf32>, vector<128x128xf32>, vector<128x128xf32> -> vector<128x128xf32>
    %mul3A_355 = arith.mulf %dot_general3A_354, %slice3A_342 : vector<128x128xf32>
    %reduce_sum3A_356 = arith.constant dense<0.000000e+00> : vector<128xf32>
    %reduce_sum3A_357 = vector.multi_reduction <add>, %mul3A_355, %reduce_sum3A_356 [1] : vector<128x128xf32> to vector<128xf32>
    %broadcast_in_dim3A_358 = vector.shape_cast %reduce_sum3A_357 : vector<128xf32> to vector<128x1xf32>
    %convert_element_type3A_359 = arith.fptosi %broadcast_in_dim3A_358 : vector<128x1xf32> to vector<128x1xi32>
    %slice3A_360 = vector.extract_strided_slice %broadcast_in_dim3A_15 {offsets = [1920, 0], sizes = [128, 1], strides = [1, 1]} : vector<2048x1xi32> to vector<128x1xi32>
    %transpose3A_361 = tpu.transpose %slice3A_360, [1, 0] : vector<128x1xi32> -> vector<1x128xi32>
    %transpose3A_362 = tpu.transpose %convert_element_type3A_359, [1, 0] : vector<128x1xi32> -> vector<1x128xi32>
    %concatenate3A = tpu.concatenate %transpose3A, %transpose3A_67, %transpose3A_88, %transpose3A_109, %transpose3A_130, %transpose3A_151, %transpose3A_172, %transpose3A_193, %transpose3A_214, %transpose3A_235, %transpose3A_256, %transpose3A_277, %transpose3A_298, %transpose3A_319, %transpose3A_340, %transpose3A_361 in 0 : vector<1x128xi32>, vector<1x128xi32>, vector<1x128xi32>, vector<1x128xi32>, vector<1x128xi32>, vector<1x128xi32>, vector<1x128xi32>, vector<1x128xi32>, vector<1x128xi32>, vector<1x128xi32>, vector<1x128xi32>, vector<1x128xi32>, vector<1x128xi32>, vector<1x128xi32>, vector<1x128xi32>, vector<1x128xi32> -> vector<16x128xi32>
    %swap3A_363 = arith.constant 0 : index
    %swap3A_364 = arith.constant 0 : index
    %swap3A_365 = vector.load %arg3[%swap3A_363, %swap3A_364] : memref<16x128xi32, #tpu.memory_space<vmem>>, vector<16x128xi32>
    tpu.vector_store %arg3[%swap3A_363, %swap3A_364], %concatenate3A {strides = array<i32>} : memref<16x128xi32, #tpu.memory_space<vmem>>, vector<16x128xi32>,
    %concatenate3A_366 = tpu.concatenate %transpose3A_47, %transpose3A_68, %transpose3A_89, %transpose3A_110, %transpose3A_131, %transpose3A_152, %transpose3A_173, %transpose3A_194, %transpose3A_215, %transpose3A_236, %transpose3A_257, %transpose3A_278, %transpose3A_299, %transpose3A_320, %transpose3A_341, %transpose3A_362 in 0 : vector<1x128xi32>, vector<1x128xi32>, vector<1x128xi32>, vector<1x128xi32>, vector<1x128xi32>, vector<1x128xi32>, vector<1x128xi32>, vector<1x128xi32>, vector<1x128xi32>, vector<1x128xi32>, vector<1x128xi32>, vector<1x128xi32>, vector<1x128xi32>, vector<1x128xi32>, vector<1x128xi32>, vector<1x128xi32> -> vector<16x128xi32>
    %swap3A_367 = arith.constant 0 : index
    %swap3A_368 = arith.constant 0 : index
    %swap3A_369 = vector.load %arg4[%swap3A_367, %swap3A_368] : memref<16x128xi32, #tpu.memory_space<vmem>>, vector<16x128xi32>
    tpu.vector_store %arg4[%swap3A_367, %swap3A_368], %concatenate3A_366 {strides = array<i32>} : memref<16x128xi32, #tpu.memory_space<vmem>>, vector<16x128xi32>,
    %eq3A_370 = arith.constant 0 : i32
    %eq3A_371 = arith.cmpi eq, %arg0, %eq3A_370 : i32
    %convert_element_type3A_372 = arith.extui %eq3A_371 : i1 to i32
    %cond3A = arith.constant 0 : i32
    %cond3A_373 = arith.cmpi ne, %convert_element_type3A_372, %cond3A : i32
    scf.if %cond3A_373 {
      %broadcast_in_dim3A_389 = arith.constant 0.000000e+00 : f32
      %broadcast_in_dim3A_390 = vector.broadcast %broadcast_in_dim3A_389 : f32 to vector<1x128xf32>
      %swap3A_391 = arith.constant 0 : index
      %swap3A_392 = arith.constant 0 : index
      %swap3A_393 = vector.load %arg8[%swap3A_391, %swap3A_392] : memref<1x128xf32, #tpu.memory_space<vmem>>, vector<1x128xf32>
      tpu.vector_store %arg8[%swap3A_391, %swap3A_392], %broadcast_in_dim3A_390 {strides = array<i32>} : memref<1x128xf32, #tpu.memory_space<vmem>>, vector<1x128xf32>,
    } else {
    }
    %get3A_374 = arith.constant 0 : index
    %get3A_375 = arith.constant 0 : index
    %get3A_376 = vector.load %arg8[%get3A_374, %get3A_375] : memref<1x128xf32, #tpu.memory_space<vmem>>, vector<1x128xf32>
    %reduce_sum3A_377 = arith.constant dense<0.000000e+00> : vector<128xf32>
    %reduce_sum3A_378 = vector.multi_reduction <add>, %select_n3A_25, %reduce_sum3A_377 [0] : vector<2048x128xf32> to vector<128xf32>
    %broadcast_in_dim3A_379 = vector.shape_cast %reduce_sum3A_378 : vector<128xf32> to vector<1x128xf32>
    %add3A_380 = arith.addf %get3A_376, %broadcast_in_dim3A_379 : vector<1x128xf32>
    %swap3A_381 = arith.constant 0 : index
    %swap3A_382 = arith.constant 0 : index
    %swap3A_383 = vector.load %arg8[%swap3A_381, %swap3A_382] : memref<1x128xf32, #tpu.memory_space<vmem>>, vector<1x128xf32>
    tpu.vector_store %arg8[%swap3A_381, %swap3A_382], %add3A_380 {strides = array<i32>} : memref<1x128xf32, #tpu.memory_space<vmem>>, vector<1x128xf32>,
    %eq3A_384 = arith.constant 1 : i32
    %eq3A_385 = arith.cmpi eq, %arg0, %eq3A_384 : i32
    %convert_element_type3A_386 = arith.extui %eq3A_385 : i1 to i32
    %cond3A_387 = arith.constant 0 : i32
    %cond3A_388 = arith.cmpi ne, %convert_element_type3A_386, %cond3A_387 : i32
    scf.if %cond3A_388 {
      %get3A_389 = arith.constant 0 : index
      %get3A_390 = arith.constant 0 : index
      %get3A_391 = vector.load %arg8[%get3A_389, %get3A_390] : memref<1x128xf32, #tpu.memory_space<vmem>>, vector<1x128xf32>
      %slice3A_392 = vector.extract_strided_slice %iota3A {offsets = [0, 0], sizes = [1, 128], strides = [1, 1]} : vector<2048x128xi32> to vector<1x128xi32>
      %lt3A_393 = arith.constant 8 : i32
      %lt3A_394 = vector.broadcast %lt3A_393 : i32 to vector<1x128xi32>
      %lt3A_395 = arith.cmpi slt, %slice3A_392, %lt3A_394 : vector<1x128xi32>
      %jit3A_396 = arith.constant 0.000000e+00 : f32
      %broadcast_in_dim3A_397 = vector.broadcast %jit3A_396 : f32 to vector<1x128xf32>
      %select_n3A_398 = arith.select %lt3A_395, %get3A_391, %broadcast_in_dim3A_397 : vector<1x128xi1>, vector<1x128xf32>
      %reduce_sum3A_399 = vector.shape_cast %select_n3A_398 : vector<1x128xf32> to vector<1x1x128xf32>
      %reduce_sum3A_400 = arith.constant dense<0.000000e+00> : vector<1xf32>
      %reduce_sum3A_401 = vector.multi_reduction <add>, %reduce_sum3A_399, %reduce_sum3A_400 [1, 2] : vector<1x1x128xf32> to vector<1xf32>
      %reduce_sum3A_402 = vector.shape_cast %reduce_sum3A_401 : vector<1xf32> to vector<1x1x1xf32>
      %reduce_sum3A_403 = vector.extract %reduce_sum3A_402[0, 0, 0] : f32 from vector<1x1x1xf32>
      %div3A = arith.constant 8.000000e+00 : f32
      %div3A_404 = arith.divf %reduce_sum3A_403, %div3A : f32
      %lt3A_405 = arith.constant 8 : i32
      %lt3A_406 = vector.broadcast %lt3A_405 : i32 to vector<1x128xi32>
      %lt3A_407 = arith.cmpi slt, %slice3A_392, %lt3A_406 : vector<1x128xi32>
      %sub3A = vector.broadcast %div3A_404 : f32 to vector<1x128xf32>
      %sub3A_408 = arith.subf %get3A_391, %sub3A : vector<1x128xf32>
      %jit3A_409 = arith.constant 0.000000e+00 : f32
      %broadcast_in_dim3A_410 = vector.broadcast %jit3A_409 : f32 to vector<1x128xf32>
      %select_n3A_411 = arith.select %lt3A_407, %sub3A_408, %broadcast_in_dim3A_410 : vector<1x128xi1>, vector<1x128xf32>
      %mul3A_412 = arith.mulf %select_n3A_411, %select_n3A_411 : vector<1x128xf32>
      %reduce_sum3A_413 = vector.shape_cast %mul3A_412 : vector<1x128xf32> to vector<1x1x128xf32>
      %reduce_sum3A_414 = arith.constant dense<0.000000e+00> : vector<1xf32>
      %reduce_sum3A_415 = vector.multi_reduction <add>, %reduce_sum3A_413, %reduce_sum3A_414 [1, 2] : vector<1x1x128xf32> to vector<1xf32>
      %reduce_sum3A_416 = vector.shape_cast %reduce_sum3A_415 : vector<1xf32> to vector<1x1x1xf32>
      %reduce_sum3A_417 = vector.extract %reduce_sum3A_416[0, 0, 0] : f32 from vector<1x1x1xf32>
      %div3A_418 = arith.constant 7.000000e+00 : f32
      %div3A_419 = arith.divf %reduce_sum3A_417, %div3A_418 : f32
      %mul3A_420 = arith.mulf %div3A_404, %div3A_404 : f32
      %add3A_421 = arith.constant 1.000000e-10 : f32
      %add3A_422 = arith.addf %mul3A_420, %add3A_421 : f32
      %div3A_423 = arith.divf %div3A_419, %add3A_422 : f32
      %broadcast_in_dim3A_424 = vector.broadcast %div3A_423 : f32 to vector<1x1xf32>
      %swap3A_425 = arith.constant 0 : index
      %swap3A_426 = arith.constant 0 : index
      %swap3A_427 = vector.load %arg7[%swap3A_425, %swap3A_426] : memref<1x1xf32, #tpu.memory_space<vmem>>, vector<1x1xf32>
      tpu.vector_store %arg7[%swap3A_425, %swap3A_426], %broadcast_in_dim3A_424 {strides = array<i32>} : memref<1x1xf32, #tpu.memory_space<vmem>>, vector<1x1xf32>,
      %iota3A_428 = tpu.iota {dimensions = array<i32: 0>} : vector<128x128xi32>
      %iota3A_429 = tpu.iota {dimensions = array<i32: 1>} : vector<128x128xi32>
      %lt3A_430 = arith.cmpi slt, %iota3A_428, %iota3A_429 : vector<128x128xi32>
      %jit3A_431 = arith.constant 1.000000e+00 : f32
      %jit3A_432 = arith.constant 0.000000e+00 : f32
      %broadcast_in_dim3A_433 = vector.broadcast %jit3A_431 : f32 to vector<128x128xf32>
      %broadcast_in_dim3A_434 = vector.broadcast %jit3A_432 : f32 to vector<128x128xf32>
      %select_n3A_435 = arith.select %lt3A_430, %broadcast_in_dim3A_433, %broadcast_in_dim3A_434 : vector<128x128xi1>, vector<128x128xf32>
      %dot_general3A_436 = arith.constant dense<0.000000e+00> : vector<1x128xf32>
      %dot_general3A_437 = tpu.matmul %get3A_391, %select_n3A_435, %dot_general3A_436 {dimension_numbers = #tpu.dot_dimension_numbers<[1], [0], [0], [1], [0, 0, 1, 1], [], []>, precision = #tpu.contract_precision<fp32>, transpose_lhs_hint = false} : vector<1x128xf32>, vector<128x128xf32>, vector<1x128xf32> -> vector<1x128xf32>
      %iota3A_438 = tpu.iota {dimensions = array<i32: 0>} : vector<32x32xi32>
      %iota3A_439 = tpu.iota {dimensions = array<i32: 1>} : vector<32x32xi32>
      %lt3A_440 = arith.cmpi slt, %iota3A_439, %iota3A_438 : vector<32x32xi32>
      %jit3A_441 = arith.constant 1.000000e+00 : f32
      %jit3A_442 = arith.constant 0.000000e+00 : f32
      %broadcast_in_dim3A_443 = vector.broadcast %jit3A_441 : f32 to vector<32x32xf32>
      %broadcast_in_dim3A_444 = vector.broadcast %jit3A_442 : f32 to vector<32x32xf32>
      %select_n3A_445 = arith.select %lt3A_440, %broadcast_in_dim3A_443, %broadcast_in_dim3A_444 : vector<32x32xi1>, vector<32x32xf32>
      %get3A_446 = arith.constant 0 : index
      %get3A_447 = arith.constant 0 : index
      %get3A_448 = vector.load %arg9[%get3A_446, %get3A_447] : memref<32x128xf32, #tpu.memory_space<vmem>>, vector<32x128xf32>
      %dot_general3A_449 = arith.constant dense<0.000000e+00> : vector<32x128xf32>
      %dot_general3A_450 = tpu.matmul %select_n3A_445, %get3A_448, %dot_general3A_449 {dimension_numbers = #tpu.dot_dimension_numbers<[1], [0], [0], [1], [0, 0, 1, 1], [], []>, precision = #tpu.contract_precision<fp32>, transpose_lhs_hint = false} : vector<32x32xf32>, vector<32x128xf32>, vector<32x128xf32> -> vector<32x128xf32>
      %add3A_451 = vector.broadcast %dot_general3A_437 : vector<1x128xf32> to vector<32x128xf32>
      %add3A_452 = arith.addf %dot_general3A_450, %add3A_451 : vector<32x128xf32>
      %convert_element_type3A_453 = arith.fptosi %add3A_452 : vector<32x128xf32> to vector<32x128xi32>
      %swap3A_454 = arith.constant 0 : index
      %swap3A_455 = arith.constant 0 : index
      %swap3A_456 = vector.load %arg5[%swap3A_454, %swap3A_455] : memref<32x128xi32, #tpu.memory_space<vmem>>, vector<32x128xi32>
      tpu.vector_store %arg5[%swap3A_454, %swap3A_455], %convert_element_type3A_453 {strides = array<i32>} : memref<32x128xi32, #tpu.memory_space<vmem>>, vector<32x128xi32>,
      %ge3A = arith.constant 1 : i32
      %ge3A_457 = vector.broadcast %ge3A : i32 to vector<1x128xi32>
      %ge3A_458 = arith.cmpi sge, %slice3A_392, %ge3A_457 : vector<1x128xi32>
      %lt3A_459 = arith.constant 8 : i32
      %lt3A_460 = vector.broadcast %lt3A_459 : i32 to vector<1x128xi32>
      %lt3A_461 = arith.cmpi slt, %slice3A_392, %lt3A_460 : vector<1x128xi32>
      %and3A_462 = arith.andi %ge3A_458, %lt3A_461 : vector<1x128xi1>
      %le3A = arith.constant 0.000000e+00 : f32
      %le3A_463 = vector.broadcast %le3A : f32 to vector<1x128xf32>
      %le3A_464 = arith.cmpf ole, %dot_general3A_437, %le3A_463 : vector<1x128xf32>
      %and3A_465 = arith.andi %and3A_462, %le3A_464 : vector<1x128xi1>
      %jit3A_466 = arith.constant 1.000000e+00 : f32
      %jit3A_467 = arith.constant 0.000000e+00 : f32
      %broadcast_in_dim3A_468 = vector.broadcast %jit3A_466 : f32 to vector<1x128xf32>
      %broadcast_in_dim3A_469 = vector.broadcast %jit3A_467 : f32 to vector<1x128xf32>
      %select_n3A_470 = arith.select %and3A_465, %broadcast_in_dim3A_468, %broadcast_in_dim3A_469 : vector<1x128xi1>, vector<1x128xf32>
      %reduce_sum3A_471 = vector.shape_cast %select_n3A_470 : vector<1x128xf32> to vector<1x1x128xf32>
      %reduce_sum3A_472 = arith.constant dense<0.000000e+00> : vector<1xf32>
      %reduce_sum3A_473 = vector.multi_reduction <add>, %reduce_sum3A_471, %reduce_sum3A_472 [1, 2] : vector<1x1x128xf32> to vector<1xf32>
      %reduce_sum3A_474 = vector.shape_cast %reduce_sum3A_473 : vector<1xf32> to vector<1x1x1xf32>
      %reduce_sum3A_475 = vector.extract %reduce_sum3A_474[0, 0, 0] : f32 from vector<1x1x1xf32>
      %le3A_476 = arith.constant 5.110000e+02 : f32
      %le3A_477 = vector.broadcast %le3A_476 : f32 to vector<1x128xf32>
      %le3A_478 = arith.cmpf ole, %dot_general3A_437, %le3A_477 : vector<1x128xf32>
      %and3A_479 = arith.andi %and3A_462, %le3A_478 : vector<1x128xi1>
      %jit3A_480 = arith.constant 1.000000e+00 : f32
      %jit3A_481 = arith.constant 0.000000e+00 : f32
      %broadcast_in_dim3A_482 = vector.broadcast %jit3A_480 : f32 to vector<1x128xf32>
      %broadcast_in_dim3A_483 = vector.broadcast %jit3A_481 : f32 to vector<1x128xf32>
      %select_n3A_484 = arith.select %and3A_479, %broadcast_in_dim3A_482, %broadcast_in_dim3A_483 : vector<1x128xi1>, vector<1x128xf32>
      %reduce_sum3A_485 = vector.shape_cast %select_n3A_484 : vector<1x128xf32> to vector<1x1x128xf32>
      %reduce_sum3A_486 = arith.constant dense<0.000000e+00> : vector<1xf32>
      %reduce_sum3A_487 = vector.multi_reduction <add>, %reduce_sum3A_485, %reduce_sum3A_486 [1, 2] : vector<1x1x128xf32> to vector<1xf32>
      %reduce_sum3A_488 = vector.shape_cast %reduce_sum3A_487 : vector<1xf32> to vector<1x1x1xf32>
      %reduce_sum3A_489 = vector.extract %reduce_sum3A_488[0, 0, 0] : f32 from vector<1x1x1xf32>
      %sub3A_490 = arith.subf %reduce_sum3A_489, %reduce_sum3A_475 : f32
      %add3A_491 = arith.constant 1.000000e+00 : f32
      %add3A_492 = arith.addf %sub3A_490, %add3A_491 : f32
      %add3A_493 = arith.constant 0.000000e+00 : f32
      %add3A_494 = arith.addf %add3A_493, %add3A_492 : f32
      %le3A_495 = arith.constant 5.120000e+02 : f32
      %le3A_496 = vector.broadcast %le3A_495 : f32 to vector<1x128xf32>
      %le3A_497 = arith.cmpf ole, %dot_general3A_437, %le3A_496 : vector<1x128xf32>
      %and3A_498 = arith.andi %and3A_462, %le3A_497 : vector<1x128xi1>
      %jit3A_499 = arith.constant 1.000000e+00 : f32
      %jit3A_500 = arith.constant 0.000000e+00 : f32
      %broadcast_in_dim3A_501 = vector.broadcast %jit3A_499 : f32 to vector<1x128xf32>
      %broadcast_in_dim3A_502 = vector.broadcast %jit3A_500 : f32 to vector<1x128xf32>
      %select_n3A_503 = arith.select %and3A_498, %broadcast_in_dim3A_501, %broadcast_in_dim3A_502 : vector<1x128xi1>, vector<1x128xf32>
      %reduce_sum3A_504 = vector.shape_cast %select_n3A_503 : vector<1x128xf32> to vector<1x1x128xf32>
      %reduce_sum3A_505 = arith.constant dense<0.000000e+00> : vector<1xf32>
      %reduce_sum3A_506 = vector.multi_reduction <add>, %reduce_sum3A_504, %reduce_sum3A_505 [1, 2] : vector<1x1x128xf32> to vector<1xf32>
      %reduce_sum3A_507 = vector.shape_cast %reduce_sum3A_506 : vector<1xf32> to vector<1x1x1xf32>
      %reduce_sum3A_508 = vector.extract %reduce_sum3A_507[0, 0, 0] : f32 from vector<1x1x1xf32>
      %le3A_509 = arith.constant 1.023000e+03 : f32
      %le3A_510 = vector.broadcast %le3A_509 : f32 to vector<1x128xf32>
      %le3A_511 = arith.cmpf ole, %dot_general3A_437, %le3A_510 : vector<1x128xf32>
      %and3A_512 = arith.andi %and3A_462, %le3A_511 : vector<1x128xi1>
      %jit3A_513 = arith.constant 1.000000e+00 : f32
      %jit3A_514 = arith.constant 0.000000e+00 : f32
      %broadcast_in_dim3A_515 = vector.broadcast %jit3A_513 : f32 to vector<1x128xf32>
      %broadcast_in_dim3A_516 = vector.broadcast %jit3A_514 : f32 to vector<1x128xf32>
      %select_n3A_517 = arith.select %and3A_512, %broadcast_in_dim3A_515, %broadcast_in_dim3A_516 : vector<1x128xi1>, vector<1x128xf32>
      %reduce_sum3A_518 = vector.shape_cast %select_n3A_517 : vector<1x128xf32> to vector<1x1x128xf32>
      %reduce_sum3A_519 = arith.constant dense<0.000000e+00> : vector<1xf32>
      %reduce_sum3A_520 = vector.multi_reduction <add>, %reduce_sum3A_518, %reduce_sum3A_519 [1, 2] : vector<1x1x128xf32> to vector<1xf32>
      %reduce_sum3A_521 = vector.shape_cast %reduce_sum3A_520 : vector<1xf32> to vector<1x1x1xf32>
      %reduce_sum3A_522 = vector.extract %reduce_sum3A_521[0, 0, 0] : f32 from vector<1x1x1xf32>
      %sub3A_523 = arith.subf %reduce_sum3A_522, %reduce_sum3A_508 : f32
      %add3A_524 = arith.constant 1.000000e+00 : f32
      %add3A_525 = arith.addf %sub3A_523, %add3A_524 : f32
      %add3A_526 = arith.addf %add3A_494, %add3A_525 : f32
      %le3A_527 = arith.constant 1.024000e+03 : f32
      %le3A_528 = vector.broadcast %le3A_527 : f32 to vector<1x128xf32>
      %le3A_529 = arith.cmpf ole, %dot_general3A_437, %le3A_528 : vector<1x128xf32>
      %and3A_530 = arith.andi %and3A_462, %le3A_529 : vector<1x128xi1>
      %jit3A_531 = arith.constant 1.000000e+00 : f32
      %jit3A_532 = arith.constant 0.000000e+00 : f32
      %broadcast_in_dim3A_533 = vector.broadcast %jit3A_531 : f32 to vector<1x128xf32>
      %broadcast_in_dim3A_534 = vector.broadcast %jit3A_532 : f32 to vector<1x128xf32>
      %select_n3A_535 = arith.select %and3A_530, %broadcast_in_dim3A_533, %broadcast_in_dim3A_534 : vector<1x128xi1>, vector<1x128xf32>
      %reduce_sum3A_536 = vector.shape_cast %select_n3A_535 : vector<1x128xf32> to vector<1x1x128xf32>
      %reduce_sum3A_537 = arith.constant dense<0.000000e+00> : vector<1xf32>
      %reduce_sum3A_538 = vector.multi_reduction <add>, %reduce_sum3A_536, %reduce_sum3A_537 [1, 2] : vector<1x1x128xf32> to vector<1xf32>
      %reduce_sum3A_539 = vector.shape_cast %reduce_sum3A_538 : vector<1xf32> to vector<1x1x1xf32>
      %reduce_sum3A_540 = vector.extract %reduce_sum3A_539[0, 0, 0] : f32 from vector<1x1x1xf32>
      %le3A_541 = arith.constant 1.535000e+03 : f32
      %le3A_542 = vector.broadcast %le3A_541 : f32 to vector<1x128xf32>
      %le3A_543 = arith.cmpf ole, %dot_general3A_437, %le3A_542 : vector<1x128xf32>
      %and3A_544 = arith.andi %and3A_462, %le3A_543 : vector<1x128xi1>
      %jit3A_545 = arith.constant 1.000000e+00 : f32
      %jit3A_546 = arith.constant 0.000000e+00 : f32
      %broadcast_in_dim3A_547 = vector.broadcast %jit3A_545 : f32 to vector<1x128xf32>
      %broadcast_in_dim3A_548 = vector.broadcast %jit3A_546 : f32 to vector<1x128xf32>
      %select_n3A_549 = arith.select %and3A_544, %broadcast_in_dim3A_547, %broadcast_in_dim3A_548 : vector<1x128xi1>, vector<1x128xf32>
      %reduce_sum3A_550 = vector.shape_cast %select_n3A_549 : vector<1x128xf32> to vector<1x1x128xf32>
      %reduce_sum3A_551 = arith.constant dense<0.000000e+00> : vector<1xf32>
      %reduce_sum3A_552 = vector.multi_reduction <add>, %reduce_sum3A_550, %reduce_sum3A_551 [1, 2] : vector<1x1x128xf32> to vector<1xf32>
      %reduce_sum3A_553 = vector.shape_cast %reduce_sum3A_552 : vector<1xf32> to vector<1x1x1xf32>
      %reduce_sum3A_554 = vector.extract %reduce_sum3A_553[0, 0, 0] : f32 from vector<1x1x1xf32>
      %sub3A_555 = arith.subf %reduce_sum3A_554, %reduce_sum3A_540 : f32
      %add3A_556 = arith.constant 1.000000e+00 : f32
      %add3A_557 = arith.addf %sub3A_555, %add3A_556 : f32
      %add3A_558 = arith.addf %add3A_526, %add3A_557 : f32
      %le3A_559 = arith.constant 1.536000e+03 : f32
      %le3A_560 = vector.broadcast %le3A_559 : f32 to vector<1x128xf32>
      %le3A_561 = arith.cmpf ole, %dot_general3A_437, %le3A_560 : vector<1x128xf32>
      %and3A_562 = arith.andi %and3A_462, %le3A_561 : vector<1x128xi1>
      %jit3A_563 = arith.constant 1.000000e+00 : f32
      %jit3A_564 = arith.constant 0.000000e+00 : f32
      %broadcast_in_dim3A_565 = vector.broadcast %jit3A_563 : f32 to vector<1x128xf32>
      %broadcast_in_dim3A_566 = vector.broadcast %jit3A_564 : f32 to vector<1x128xf32>
      %select_n3A_567 = arith.select %and3A_562, %broadcast_in_dim3A_565, %broadcast_in_dim3A_566 : vector<1x128xi1>, vector<1x128xf32>
      %reduce_sum3A_568 = vector.shape_cast %select_n3A_567 : vector<1x128xf32> to vector<1x1x128xf32>
      %reduce_sum3A_569 = arith.constant dense<0.000000e+00> : vector<1xf32>
      %reduce_sum3A_570 = vector.multi_reduction <add>, %reduce_sum3A_568, %reduce_sum3A_569 [1, 2] : vector<1x1x128xf32> to vector<1xf32>
      %reduce_sum3A_571 = vector.shape_cast %reduce_sum3A_570 : vector<1xf32> to vector<1x1x1xf32>
      %reduce_sum3A_572 = vector.extract %reduce_sum3A_571[0, 0, 0] : f32 from vector<1x1x1xf32>
      %le3A_573 = arith.constant 2.047000e+03 : f32
      %le3A_574 = vector.broadcast %le3A_573 : f32 to vector<1x128xf32>
      %le3A_575 = arith.cmpf ole, %dot_general3A_437, %le3A_574 : vector<1x128xf32>
      %and3A_576 = arith.andi %and3A_462, %le3A_575 : vector<1x128xi1>
      %jit3A_577 = arith.constant 1.000000e+00 : f32
      %jit3A_578 = arith.constant 0.000000e+00 : f32
      %broadcast_in_dim3A_579 = vector.broadcast %jit3A_577 : f32 to vector<1x128xf32>
      %broadcast_in_dim3A_580 = vector.broadcast %jit3A_578 : f32 to vector<1x128xf32>
      %select_n3A_581 = arith.select %and3A_576, %broadcast_in_dim3A_579, %broadcast_in_dim3A_580 : vector<1x128xi1>, vector<1x128xf32>
      %reduce_sum3A_582 = vector.shape_cast %select_n3A_581 : vector<1x128xf32> to vector<1x1x128xf32>
      %reduce_sum3A_583 = arith.constant dense<0.000000e+00> : vector<1xf32>
      %reduce_sum3A_584 = vector.multi_reduction <add>, %reduce_sum3A_582, %reduce_sum3A_583 [1, 2] : vector<1x1x128xf32> to vector<1xf32>
      %reduce_sum3A_585 = vector.shape_cast %reduce_sum3A_584 : vector<1xf32> to vector<1x1x1xf32>
      %reduce_sum3A_586 = vector.extract %reduce_sum3A_585[0, 0, 0] : f32 from vector<1x1x1xf32>
      %sub3A_587 = arith.subf %reduce_sum3A_586, %reduce_sum3A_572 : f32
      %add3A_588 = arith.constant 1.000000e+00 : f32
      %add3A_589 = arith.addf %sub3A_587, %add3A_588 : f32
      %add3A_590 = arith.addf %add3A_558, %add3A_589 : f32
      %le3A_591 = arith.constant 2.048000e+03 : f32
      %le3A_592 = vector.broadcast %le3A_591 : f32 to vector<1x128xf32>
      %le3A_593 = arith.cmpf ole, %dot_general3A_437, %le3A_592 : vector<1x128xf32>
      %and3A_594 = arith.andi %and3A_462, %le3A_593 : vector<1x128xi1>
      %jit3A_595 = arith.constant 1.000000e+00 : f32
      %jit3A_596 = arith.constant 0.000000e+00 : f32
      %broadcast_in_dim3A_597 = vector.broadcast %jit3A_595 : f32 to vector<1x128xf32>
      %broadcast_in_dim3A_598 = vector.broadcast %jit3A_596 : f32 to vector<1x128xf32>
      %select_n3A_599 = arith.select %and3A_594, %broadcast_in_dim3A_597, %broadcast_in_dim3A_598 : vector<1x128xi1>, vector<1x128xf32>
      %reduce_sum3A_600 = vector.shape_cast %select_n3A_599 : vector<1x128xf32> to vector<1x1x128xf32>
      %reduce_sum3A_601 = arith.constant dense<0.000000e+00> : vector<1xf32>
      %reduce_sum3A_602 = vector.multi_reduction <add>, %reduce_sum3A_600, %reduce_sum3A_601 [1, 2] : vector<1x1x128xf32> to vector<1xf32>
      %reduce_sum3A_603 = vector.shape_cast %reduce_sum3A_602 : vector<1xf32> to vector<1x1x1xf32>
      %reduce_sum3A_604 = vector.extract %reduce_sum3A_603[0, 0, 0] : f32 from vector<1x1x1xf32>
      %le3A_605 = arith.constant 2.559000e+03 : f32
      %le3A_606 = vector.broadcast %le3A_605 : f32 to vector<1x128xf32>
      %le3A_607 = arith.cmpf ole, %dot_general3A_437, %le3A_606 : vector<1x128xf32>
      %and3A_608 = arith.andi %and3A_462, %le3A_607 : vector<1x128xi1>
      %jit3A_609 = arith.constant 1.000000e+00 : f32
      %jit3A_610 = arith.constant 0.000000e+00 : f32
      %broadcast_in_dim3A_611 = vector.broadcast %jit3A_609 : f32 to vector<1x128xf32>
      %broadcast_in_dim3A_612 = vector.broadcast %jit3A_610 : f32 to vector<1x128xf32>
      %select_n3A_613 = arith.select %and3A_608, %broadcast_in_dim3A_611, %broadcast_in_dim3A_612 : vector<1x128xi1>, vector<1x128xf32>
      %reduce_sum3A_614 = vector.shape_cast %select_n3A_613 : vector<1x128xf32> to vector<1x1x128xf32>
      %reduce_sum3A_615 = arith.constant dense<0.000000e+00> : vector<1xf32>
      %reduce_sum3A_616 = vector.multi_reduction <add>, %reduce_sum3A_614, %reduce_sum3A_615 [1, 2] : vector<1x1x128xf32> to vector<1xf32>
      %reduce_sum3A_617 = vector.shape_cast %reduce_sum3A_616 : vector<1xf32> to vector<1x1x1xf32>
      %reduce_sum3A_618 = vector.extract %reduce_sum3A_617[0, 0, 0] : f32 from vector<1x1x1xf32>
      %sub3A_619 = arith.subf %reduce_sum3A_618, %reduce_sum3A_604 : f32
      %add3A_620 = arith.constant 1.000000e+00 : f32
      %add3A_621 = arith.addf %sub3A_619, %add3A_620 : f32
      %add3A_622 = arith.addf %add3A_590, %add3A_621 : f32
      %le3A_623 = arith.constant 2.560000e+03 : f32
      %le3A_624 = vector.broadcast %le3A_623 : f32 to vector<1x128xf32>
      %le3A_625 = arith.cmpf ole, %dot_general3A_437, %le3A_624 : vector<1x128xf32>
      %and3A_626 = arith.andi %and3A_462, %le3A_625 : vector<1x128xi1>
      %jit3A_627 = arith.constant 1.000000e+00 : f32
      %jit3A_628 = arith.constant 0.000000e+00 : f32
      %broadcast_in_dim3A_629 = vector.broadcast %jit3A_627 : f32 to vector<1x128xf32>
      %broadcast_in_dim3A_630 = vector.broadcast %jit3A_628 : f32 to vector<1x128xf32>
      %select_n3A_631 = arith.select %and3A_626, %broadcast_in_dim3A_629, %broadcast_in_dim3A_630 : vector<1x128xi1>, vector<1x128xf32>
      %reduce_sum3A_632 = vector.shape_cast %select_n3A_631 : vector<1x128xf32> to vector<1x1x128xf32>
      %reduce_sum3A_633 = arith.constant dense<0.000000e+00> : vector<1xf32>
      %reduce_sum3A_634 = vector.multi_reduction <add>, %reduce_sum3A_632, %reduce_sum3A_633 [1, 2] : vector<1x1x128xf32> to vector<1xf32>
      %reduce_sum3A_635 = vector.shape_cast %reduce_sum3A_634 : vector<1xf32> to vector<1x1x1xf32>
      %reduce_sum3A_636 = vector.extract %reduce_sum3A_635[0, 0, 0] : f32 from vector<1x1x1xf32>
      %le3A_637 = arith.constant 3.071000e+03 : f32
      %le3A_638 = vector.broadcast %le3A_637 : f32 to vector<1x128xf32>
      %le3A_639 = arith.cmpf ole, %dot_general3A_437, %le3A_638 : vector<1x128xf32>
      %and3A_640 = arith.andi %and3A_462, %le3A_639 : vector<1x128xi1>
      %jit3A_641 = arith.constant 1.000000e+00 : f32
      %jit3A_642 = arith.constant 0.000000e+00 : f32
      %broadcast_in_dim3A_643 = vector.broadcast %jit3A_641 : f32 to vector<1x128xf32>
      %broadcast_in_dim3A_644 = vector.broadcast %jit3A_642 : f32 to vector<1x128xf32>
      %select_n3A_645 = arith.select %and3A_640, %broadcast_in_dim3A_643, %broadcast_in_dim3A_644 : vector<1x128xi1>, vector<1x128xf32>
      %reduce_sum3A_646 = vector.shape_cast %select_n3A_645 : vector<1x128xf32> to vector<1x1x128xf32>
      %reduce_sum3A_647 = arith.constant dense<0.000000e+00> : vector<1xf32>
      %reduce_sum3A_648 = vector.multi_reduction <add>, %reduce_sum3A_646, %reduce_sum3A_647 [1, 2] : vector<1x1x128xf32> to vector<1xf32>
      %reduce_sum3A_649 = vector.shape_cast %reduce_sum3A_648 : vector<1xf32> to vector<1x1x1xf32>
      %reduce_sum3A_650 = vector.extract %reduce_sum3A_649[0, 0, 0] : f32 from vector<1x1x1xf32>
      %sub3A_651 = arith.subf %reduce_sum3A_650, %reduce_sum3A_636 : f32
      %add3A_652 = arith.constant 1.000000e+00 : f32
      %add3A_653 = arith.addf %sub3A_651, %add3A_652 : f32
      %add3A_654 = arith.addf %add3A_622, %add3A_653 : f32
      %le3A_655 = arith.constant 3.072000e+03 : f32
      %le3A_656 = vector.broadcast %le3A_655 : f32 to vector<1x128xf32>
      %le3A_657 = arith.cmpf ole, %dot_general3A_437, %le3A_656 : vector<1x128xf32>
      %and3A_658 = arith.andi %and3A_462, %le3A_657 : vector<1x128xi1>
      %jit3A_659 = arith.constant 1.000000e+00 : f32
      %jit3A_660 = arith.constant 0.000000e+00 : f32
      %broadcast_in_dim3A_661 = vector.broadcast %jit3A_659 : f32 to vector<1x128xf32>
      %broadcast_in_dim3A_662 = vector.broadcast %jit3A_660 : f32 to vector<1x128xf32>
      %select_n3A_663 = arith.select %and3A_658, %broadcast_in_dim3A_661, %broadcast_in_dim3A_662 : vector<1x128xi1>, vector<1x128xf32>
      %reduce_sum3A_664 = vector.shape_cast %select_n3A_663 : vector<1x128xf32> to vector<1x1x128xf32>
      %reduce_sum3A_665 = arith.constant dense<0.000000e+00> : vector<1xf32>
      %reduce_sum3A_666 = vector.multi_reduction <add>, %reduce_sum3A_664, %reduce_sum3A_665 [1, 2] : vector<1x1x128xf32> to vector<1xf32>
      %reduce_sum3A_667 = vector.shape_cast %reduce_sum3A_666 : vector<1xf32> to vector<1x1x1xf32>
      %reduce_sum3A_668 = vector.extract %reduce_sum3A_667[0, 0, 0] : f32 from vector<1x1x1xf32>
      %le3A_669 = arith.constant 3.583000e+03 : f32
      %le3A_670 = vector.broadcast %le3A_669 : f32 to vector<1x128xf32>
      %le3A_671 = arith.cmpf ole, %dot_general3A_437, %le3A_670 : vector<1x128xf32>
      %and3A_672 = arith.andi %and3A_462, %le3A_671 : vector<1x128xi1>
      %jit3A_673 = arith.constant 1.000000e+00 : f32
      %jit3A_674 = arith.constant 0.000000e+00 : f32
      %broadcast_in_dim3A_675 = vector.broadcast %jit3A_673 : f32 to vector<1x128xf32>
      %broadcast_in_dim3A_676 = vector.broadcast %jit3A_674 : f32 to vector<1x128xf32>
      %select_n3A_677 = arith.select %and3A_672, %broadcast_in_dim3A_675, %broadcast_in_dim3A_676 : vector<1x128xi1>, vector<1x128xf32>
      %reduce_sum3A_678 = vector.shape_cast %select_n3A_677 : vector<1x128xf32> to vector<1x1x128xf32>
      %reduce_sum3A_679 = arith.constant dense<0.000000e+00> : vector<1xf32>
      %reduce_sum3A_680 = vector.multi_reduction <add>, %reduce_sum3A_678, %reduce_sum3A_679 [1, 2] : vector<1x1x128xf32> to vector<1xf32>
      %reduce_sum3A_681 = vector.shape_cast %reduce_sum3A_680 : vector<1xf32> to vector<1x1x1xf32>
      %reduce_sum3A_682 = vector.extract %reduce_sum3A_681[0, 0, 0] : f32 from vector<1x1x1xf32>
      %sub3A_683 = arith.subf %reduce_sum3A_682, %reduce_sum3A_668 : f32
      %add3A_684 = arith.constant 1.000000e+00 : f32
      %add3A_685 = arith.addf %sub3A_683, %add3A_684 : f32
      %add3A_686 = arith.addf %add3A_654, %add3A_685 : f32
      %le3A_687 = arith.constant 3.584000e+03 : f32
      %le3A_688 = vector.broadcast %le3A_687 : f32 to vector<1x128xf32>
      %le3A_689 = arith.cmpf ole, %dot_general3A_437, %le3A_688 : vector<1x128xf32>
      %and3A_690 = arith.andi %and3A_462, %le3A_689 : vector<1x128xi1>
      %jit3A_691 = arith.constant 1.000000e+00 : f32
      %jit3A_692 = arith.constant 0.000000e+00 : f32
      %broadcast_in_dim3A_693 = vector.broadcast %jit3A_691 : f32 to vector<1x128xf32>
      %broadcast_in_dim3A_694 = vector.broadcast %jit3A_692 : f32 to vector<1x128xf32>
      %select_n3A_695 = arith.select %and3A_690, %broadcast_in_dim3A_693, %broadcast_in_dim3A_694 : vector<1x128xi1>, vector<1x128xf32>
      %reduce_sum3A_696 = vector.shape_cast %select_n3A_695 : vector<1x128xf32> to vector<1x1x128xf32>
      %reduce_sum3A_697 = arith.constant dense<0.000000e+00> : vector<1xf32>
      %reduce_sum3A_698 = vector.multi_reduction <add>, %reduce_sum3A_696, %reduce_sum3A_697 [1, 2] : vector<1x1x128xf32> to vector<1xf32>
      %reduce_sum3A_699 = vector.shape_cast %reduce_sum3A_698 : vector<1xf32> to vector<1x1x1xf32>
      %reduce_sum3A_700 = vector.extract %reduce_sum3A_699[0, 0, 0] : f32 from vector<1x1x1xf32>
      %le3A_701 = arith.constant 4.095000e+03 : f32
      %le3A_702 = vector.broadcast %le3A_701 : f32 to vector<1x128xf32>
      %le3A_703 = arith.cmpf ole, %dot_general3A_437, %le3A_702 : vector<1x128xf32>
      %and3A_704 = arith.andi %and3A_462, %le3A_703 : vector<1x128xi1>
      %jit3A_705 = arith.constant 1.000000e+00 : f32
      %jit3A_706 = arith.constant 0.000000e+00 : f32
      %broadcast_in_dim3A_707 = vector.broadcast %jit3A_705 : f32 to vector<1x128xf32>
      %broadcast_in_dim3A_708 = vector.broadcast %jit3A_706 : f32 to vector<1x128xf32>
      %select_n3A_709 = arith.select %and3A_704, %broadcast_in_dim3A_707, %broadcast_in_dim3A_708 : vector<1x128xi1>, vector<1x128xf32>
      %reduce_sum3A_710 = vector.shape_cast %select_n3A_709 : vector<1x128xf32> to vector<1x1x128xf32>
      %reduce_sum3A_711 = arith.constant dense<0.000000e+00> : vector<1xf32>
      %reduce_sum3A_712 = vector.multi_reduction <add>, %reduce_sum3A_710, %reduce_sum3A_711 [1, 2] : vector<1x1x128xf32> to vector<1xf32>
      %reduce_sum3A_713 = vector.shape_cast %reduce_sum3A_712 : vector<1xf32> to vector<1x1x1xf32>
      %reduce_sum3A_714 = vector.extract %reduce_sum3A_713[0, 0, 0] : f32 from vector<1x1x1xf32>
      %sub3A_715 = arith.subf %reduce_sum3A_714, %reduce_sum3A_700 : f32
      %add3A_716 = arith.constant 1.000000e+00 : f32
      %add3A_717 = arith.addf %sub3A_715, %add3A_716 : f32
      %add3A_718 = arith.addf %add3A_686, %add3A_717 : f32
      %convert_element_type3A_719 = arith.sitofp %slice3A_392 : vector<1x128xi32> to vector<1x128xf32>
      %sub3A_720 = arith.constant 1.000000e+00 : f32
      %sub3A_721 = arith.subf %add3A_718, %sub3A_720 : f32
      %min3A = vector.broadcast %sub3A_721 : f32 to vector<1x128xf32>
      %min3A_722 = arith.minimumf %convert_element_type3A_719, %min3A : vector<1x128xf32>
      %broadcast_in_dim3A_723 = arith.constant 0.000000e+00 : f32
      %broadcast_in_dim3A_724 = vector.broadcast %broadcast_in_dim3A_723 : f32 to vector<1x128xf32>
      %le3A_725 = arith.constant 0.000000e+00 : f32
      %le3A_726 = vector.broadcast %le3A_725 : f32 to vector<1x128xf32>
      %le3A_727 = arith.cmpf ole, %le3A_726, %min3A_722 : vector<1x128xf32>
      %jit3A_728 = arith.constant 1.000000e+00 : f32
      %jit3A_729 = arith.constant 0.000000e+00 : f32
      %broadcast_in_dim3A_730 = vector.broadcast %jit3A_728 : f32 to vector<1x128xf32>
      %broadcast_in_dim3A_731 = vector.broadcast %jit3A_729 : f32 to vector<1x128xf32>
      %select_n3A_732 = arith.select %le3A_727, %broadcast_in_dim3A_730, %broadcast_in_dim3A_731 : vector<1x128xi1>, vector<1x128xf32>
      %add3A_733 = arith.addf %broadcast_in_dim3A_724, %select_n3A_732 : vector<1x128xf32>
      %le3A_734 = vector.broadcast %add3A_494 : f32 to vector<1x128xf32>
      %le3A_735 = arith.cmpf ole, %le3A_734, %min3A_722 : vector<1x128xf32>
      %jit3A_736 = arith.constant 1.000000e+00 : f32
      %jit3A_737 = arith.constant 0.000000e+00 : f32
      %broadcast_in_dim3A_738 = vector.broadcast %jit3A_736 : f32 to vector<1x128xf32>
      %broadcast_in_dim3A_739 = vector.broadcast %jit3A_737 : f32 to vector<1x128xf32>
      %select_n3A_740 = arith.select %le3A_735, %broadcast_in_dim3A_738, %broadcast_in_dim3A_739 : vector<1x128xi1>, vector<1x128xf32>
      %add3A_741 = arith.addf %add3A_733, %select_n3A_740 : vector<1x128xf32>
      %le3A_742 = vector.broadcast %add3A_526 : f32 to vector<1x128xf32>
      %le3A_743 = arith.cmpf ole, %le3A_742, %min3A_722 : vector<1x128xf32>
      %jit3A_744 = arith.constant 1.000000e+00 : f32
      %jit3A_745 = arith.constant 0.000000e+00 : f32
      %broadcast_in_dim3A_746 = vector.broadcast %jit3A_744 : f32 to vector<1x128xf32>
      %broadcast_in_dim3A_747 = vector.broadcast %jit3A_745 : f32 to vector<1x128xf32>
      %select_n3A_748 = arith.select %le3A_743, %broadcast_in_dim3A_746, %broadcast_in_dim3A_747 : vector<1x128xi1>, vector<1x128xf32>
      %add3A_749 = arith.addf %add3A_741, %select_n3A_748 : vector<1x128xf32>
      %le3A_750 = vector.broadcast %add3A_558 : f32 to vector<1x128xf32>
      %le3A_751 = arith.cmpf ole, %le3A_750, %min3A_722 : vector<1x128xf32>
      %jit3A_752 = arith.constant 1.000000e+00 : f32
      %jit3A_753 = arith.constant 0.000000e+00 : f32
      %broadcast_in_dim3A_754 = vector.broadcast %jit3A_752 : f32 to vector<1x128xf32>
      %broadcast_in_dim3A_755 = vector.broadcast %jit3A_753 : f32 to vector<1x128xf32>
      %select_n3A_756 = arith.select %le3A_751, %broadcast_in_dim3A_754, %broadcast_in_dim3A_755 : vector<1x128xi1>, vector<1x128xf32>
      %add3A_757 = arith.addf %add3A_749, %select_n3A_756 : vector<1x128xf32>
      %le3A_758 = vector.broadcast %add3A_590 : f32 to vector<1x128xf32>
      %le3A_759 = arith.cmpf ole, %le3A_758, %min3A_722 : vector<1x128xf32>
      %jit3A_760 = arith.constant 1.000000e+00 : f32
      %jit3A_761 = arith.constant 0.000000e+00 : f32
      %broadcast_in_dim3A_762 = vector.broadcast %jit3A_760 : f32 to vector<1x128xf32>
      %broadcast_in_dim3A_763 = vector.broadcast %jit3A_761 : f32 to vector<1x128xf32>
      %select_n3A_764 = arith.select %le3A_759, %broadcast_in_dim3A_762, %broadcast_in_dim3A_763 : vector<1x128xi1>, vector<1x128xf32>
      %add3A_765 = arith.addf %add3A_757, %select_n3A_764 : vector<1x128xf32>
      %le3A_766 = vector.broadcast %add3A_622 : f32 to vector<1x128xf32>
      %le3A_767 = arith.cmpf ole, %le3A_766, %min3A_722 : vector<1x128xf32>
      %jit3A_768 = arith.constant 1.000000e+00 : f32
      %jit3A_769 = arith.constant 0.000000e+00 : f32
      %broadcast_in_dim3A_770 = vector.broadcast %jit3A_768 : f32 to vector<1x128xf32>
      %broadcast_in_dim3A_771 = vector.broadcast %jit3A_769 : f32 to vector<1x128xf32>
      %select_n3A_772 = arith.select %le3A_767, %broadcast_in_dim3A_770, %broadcast_in_dim3A_771 : vector<1x128xi1>, vector<1x128xf32>
      %add3A_773 = arith.addf %add3A_765, %select_n3A_772 : vector<1x128xf32>
      %le3A_774 = vector.broadcast %add3A_654 : f32 to vector<1x128xf32>
      %le3A_775 = arith.cmpf ole, %le3A_774, %min3A_722 : vector<1x128xf32>
      %jit3A_776 = arith.constant 1.000000e+00 : f32
      %jit3A_777 = arith.constant 0.000000e+00 : f32
      %broadcast_in_dim3A_778 = vector.broadcast %jit3A_776 : f32 to vector<1x128xf32>
      %broadcast_in_dim3A_779 = vector.broadcast %jit3A_777 : f32 to vector<1x128xf32>
      %select_n3A_780 = arith.select %le3A_775, %broadcast_in_dim3A_778, %broadcast_in_dim3A_779 : vector<1x128xi1>, vector<1x128xf32>
      %add3A_781 = arith.addf %add3A_773, %select_n3A_780 : vector<1x128xf32>
      %le3A_782 = vector.broadcast %add3A_686 : f32 to vector<1x128xf32>
      %le3A_783 = arith.cmpf ole, %le3A_782, %min3A_722 : vector<1x128xf32>
      %jit3A_784 = arith.constant 1.000000e+00 : f32
      %jit3A_785 = arith.constant 0.000000e+00 : f32
      %broadcast_in_dim3A_786 = vector.broadcast %jit3A_784 : f32 to vector<1x128xf32>
      %broadcast_in_dim3A_787 = vector.broadcast %jit3A_785 : f32 to vector<1x128xf32>
      %select_n3A_788 = arith.select %le3A_783, %broadcast_in_dim3A_786, %broadcast_in_dim3A_787 : vector<1x128xi1>, vector<1x128xf32>
      %add3A_789 = arith.addf %add3A_781, %select_n3A_788 : vector<1x128xf32>
      %sub3A_790 = arith.constant 1.000000e+00 : f32
      %sub3A_791 = vector.broadcast %sub3A_790 : f32 to vector<1x128xf32>
      %sub3A_792 = arith.subf %add3A_789, %sub3A_791 : vector<1x128xf32>
      %broadcast_in_dim3A_793 = arith.constant 0.000000e+00 : f32
      %broadcast_in_dim3A_794 = vector.broadcast %broadcast_in_dim3A_793 : f32 to vector<1x128xf32>
      %eq3A_795 = arith.constant 0.000000e+00 : f32
      %eq3A_796 = vector.broadcast %eq3A_795 : f32 to vector<1x128xf32>
      %eq3A_797 = arith.cmpf oeq, %sub3A_792, %eq3A_796 : vector<1x128xf32>
      %sub3A_798 = arith.constant 0.000000e+00 : f32
      %sub3A_799 = vector.broadcast %sub3A_798 : f32 to vector<1x128xf32>
      %sub3A_800 = arith.subf %min3A_722, %sub3A_799 : vector<1x128xf32>
      %add3A_801 = vector.broadcast %reduce_sum3A_475 : f32 to vector<1x128xf32>
      %add3A_802 = arith.addf %add3A_801, %sub3A_800 : vector<1x128xf32>
      %select_n3A_803 = arith.select %eq3A_797, %add3A_802, %broadcast_in_dim3A_794 : vector<1x128xi1>, vector<1x128xf32>
      %eq3A_804 = arith.constant 1.000000e+00 : f32
      %eq3A_805 = vector.broadcast %eq3A_804 : f32 to vector<1x128xf32>
      %eq3A_806 = arith.cmpf oeq, %sub3A_792, %eq3A_805 : vector<1x128xf32>
      %sub3A_807 = vector.broadcast %add3A_494 : f32 to vector<1x128xf32>
      %sub3A_808 = arith.subf %min3A_722, %sub3A_807 : vector<1x128xf32>
      %add3A_809 = vector.broadcast %reduce_sum3A_508 : f32 to vector<1x128xf32>
      %add3A_810 = arith.addf %add3A_809, %sub3A_808 : vector<1x128xf32>
      %select_n3A_811 = arith.select %eq3A_806, %add3A_810, %select_n3A_803 : vector<1x128xi1>, vector<1x128xf32>
      %eq3A_812 = arith.constant 2.000000e+00 : f32
      %eq3A_813 = vector.broadcast %eq3A_812 : f32 to vector<1x128xf32>
      %eq3A_814 = arith.cmpf oeq, %sub3A_792, %eq3A_813 : vector<1x128xf32>
      %sub3A_815 = vector.broadcast %add3A_526 : f32 to vector<1x128xf32>
      %sub3A_816 = arith.subf %min3A_722, %sub3A_815 : vector<1x128xf32>
      %add3A_817 = vector.broadcast %reduce_sum3A_540 : f32 to vector<1x128xf32>
      %add3A_818 = arith.addf %add3A_817, %sub3A_816 : vector<1x128xf32>
      %select_n3A_819 = arith.select %eq3A_814, %add3A_818, %select_n3A_811 : vector<1x128xi1>, vector<1x128xf32>
      %eq3A_820 = arith.constant 3.000000e+00 : f32
      %eq3A_821 = vector.broadcast %eq3A_820 : f32 to vector<1x128xf32>
      %eq3A_822 = arith.cmpf oeq, %sub3A_792, %eq3A_821 : vector<1x128xf32>
      %sub3A_823 = vector.broadcast %add3A_558 : f32 to vector<1x128xf32>
      %sub3A_824 = arith.subf %min3A_722, %sub3A_823 : vector<1x128xf32>
      %add3A_825 = vector.broadcast %reduce_sum3A_572 : f32 to vector<1x128xf32>
      %add3A_826 = arith.addf %add3A_825, %sub3A_824 : vector<1x128xf32>
      %select_n3A_827 = arith.select %eq3A_822, %add3A_826, %select_n3A_819 : vector<1x128xi1>, vector<1x128xf32>
      %eq3A_828 = arith.constant 4.000000e+00 : f32
      %eq3A_829 = vector.broadcast %eq3A_828 : f32 to vector<1x128xf32>
      %eq3A_830 = arith.cmpf oeq, %sub3A_792, %eq3A_829 : vector<1x128xf32>
      %sub3A_831 = vector.broadcast %add3A_590 : f32 to vector<1x128xf32>
      %sub3A_832 = arith.subf %min3A_722, %sub3A_831 : vector<1x128xf32>
      %add3A_833 = vector.broadcast %reduce_sum3A_604 : f32 to vector<1x128xf32>
      %add3A_834 = arith.addf %add3A_833, %sub3A_832 : vector<1x128xf32>
      %select_n3A_835 = arith.select %eq3A_830, %add3A_834, %select_n3A_827 : vector<1x128xi1>, vector<1x128xf32>
      %eq3A_836 = arith.constant 5.000000e+00 : f32
      %eq3A_837 = vector.broadcast %eq3A_836 : f32 to vector<1x128xf32>
      %eq3A_838 = arith.cmpf oeq, %sub3A_792, %eq3A_837 : vector<1x128xf32>
      %sub3A_839 = vector.broadcast %add3A_622 : f32 to vector<1x128xf32>
      %sub3A_840 = arith.subf %min3A_722, %sub3A_839 : vector<1x128xf32>
      %add3A_841 = vector.broadcast %reduce_sum3A_636 : f32 to vector<1x128xf32>
      %add3A_842 = arith.addf %add3A_841, %sub3A_840 : vector<1x128xf32>
      %select_n3A_843 = arith.select %eq3A_838, %add3A_842, %select_n3A_835 : vector<1x128xi1>, vector<1x128xf32>
      %eq3A_844 = arith.constant 6.000000e+00 : f32
      %eq3A_845 = vector.broadcast %eq3A_844 : f32 to vector<1x128xf32>
      %eq3A_846 = arith.cmpf oeq, %sub3A_792, %eq3A_845 : vector<1x128xf32>
      %sub3A_847 = vector.broadcast %add3A_654 : f32 to vector<1x128xf32>
      %sub3A_848 = arith.subf %min3A_722, %sub3A_847 : vector<1x128xf32>
      %add3A_849 = vector.broadcast %reduce_sum3A_668 : f32 to vector<1x128xf32>
      %add3A_850 = arith.addf %add3A_849, %sub3A_848 : vector<1x128xf32>
      %select_n3A_851 = arith.select %eq3A_846, %add3A_850, %select_n3A_843 : vector<1x128xi1>, vector<1x128xf32>
      %eq3A_852 = arith.constant 7.000000e+00 : f32
      %eq3A_853 = vector.broadcast %eq3A_852 : f32 to vector<1x128xf32>
      %eq3A_854 = arith.cmpf oeq, %sub3A_792, %eq3A_853 : vector<1x128xf32>
      %sub3A_855 = vector.broadcast %add3A_686 : f32 to vector<1x128xf32>
      %sub3A_856 = arith.subf %min3A_722, %sub3A_855 : vector<1x128xf32>
      %add3A_857 = vector.broadcast %reduce_sum3A_700 : f32 to vector<1x128xf32>
      %add3A_858 = arith.addf %add3A_857, %sub3A_856 : vector<1x128xf32>
      %select_n3A_859 = arith.select %eq3A_854, %add3A_858, %select_n3A_851 : vector<1x128xi1>, vector<1x128xf32>
      %eq3A_860 = arith.constant 9 : i32
      %eq3A_861 = vector.broadcast %eq3A_860 : i32 to vector<1x128xi32>
      %eq3A_862 = arith.cmpi eq, %slice3A_392, %eq3A_861 : vector<1x128xi32>
      %broadcast_in_dim3A_863 = vector.broadcast %add3A_718 : f32 to vector<1x128xf32>
      %select_n3A_864 = arith.select %eq3A_862, %broadcast_in_dim3A_863, %dot_general3A_437 : vector<1x128xi1>, vector<1x128xf32>
      %convert_element_type3A_865 = arith.fptosi %select_n3A_864 : vector<1x128xf32> to vector<1x128xi32>
      %swap3A_866 = arith.constant 0 : index
      %swap3A_867 = arith.constant 0 : index
      %swap3A_868 = vector.load %arg6[%swap3A_866, %swap3A_867] : memref<8x128xi32, #tpu.memory_space<vmem>>, vector<1x128xi32>
      tpu.vector_store %arg6[%swap3A_866, %swap3A_867], %convert_element_type3A_865 {strides = array<i32>} : memref<8x128xi32, #tpu.memory_space<vmem>>, vector<1x128xi32>,
      %convert_element_type3A_869 = arith.fptosi %sub3A_792 : vector<1x128xf32> to vector<1x128xi32>
      %swap3A_870 = arith.constant 1 : index
      %swap3A_871 = arith.constant 0 : index
      %swap3A_872 = vector.load %arg6[%swap3A_870, %swap3A_871] : memref<8x128xi32, #tpu.memory_space<vmem>>, vector<1x128xi32>
      tpu.vector_store %arg6[%swap3A_870, %swap3A_871], %convert_element_type3A_869 {strides = array<i32>} : memref<8x128xi32, #tpu.memory_space<vmem>>, vector<1x128xi32>,
      %convert_element_type3A_873 = arith.fptosi %select_n3A_859 : vector<1x128xf32> to vector<1x128xi32>
      %swap3A_874 = arith.constant 2 : index
      %swap3A_875 = arith.constant 0 : index
      %swap3A_876 = vector.load %arg6[%swap3A_874, %swap3A_875] : memref<8x128xi32, #tpu.memory_space<vmem>>, vector<1x128xi32>
      tpu.vector_store %arg6[%swap3A_874, %swap3A_875], %convert_element_type3A_873 {strides = array<i32>} : memref<8x128xi32, #tpu.memory_space<vmem>>, vector<1x128xi32>,
      %broadcast_in_dim3A_877 = arith.constant 0 : i32
      %broadcast_in_dim3A_878 = vector.broadcast %broadcast_in_dim3A_877 : i32 to vector<1x128xi32>
      %swap3A_879 = arith.constant 3 : index
      %swap3A_880 = arith.constant 0 : index
      %swap3A_881 = vector.load %arg6[%swap3A_879, %swap3A_880] : memref<8x128xi32, #tpu.memory_space<vmem>>, vector<1x128xi32>
      tpu.vector_store %arg6[%swap3A_879, %swap3A_880], %broadcast_in_dim3A_878 {strides = array<i32>} : memref<8x128xi32, #tpu.memory_space<vmem>>, vector<1x128xi32>,
      %broadcast_in_dim3A_882 = arith.constant 0 : i32
      %broadcast_in_dim3A_883 = vector.broadcast %broadcast_in_dim3A_882 : i32 to vector<1x128xi32>
      %swap3A_884 = arith.constant 4 : index
      %swap3A_885 = arith.constant 0 : index
      %swap3A_886 = vector.load %arg6[%swap3A_884, %swap3A_885] : memref<8x128xi32, #tpu.memory_space<vmem>>, vector<1x128xi32>
      tpu.vector_store %arg6[%swap3A_884, %swap3A_885], %broadcast_in_dim3A_883 {strides = array<i32>} : memref<8x128xi32, #tpu.memory_space<vmem>>, vector<1x128xi32>,
      %broadcast_in_dim3A_887 = arith.constant 0 : i32
      %broadcast_in_dim3A_888 = vector.broadcast %broadcast_in_dim3A_887 : i32 to vector<1x128xi32>
      %swap3A_889 = arith.constant 5 : index
      %swap3A_890 = arith.constant 0 : index
      %swap3A_891 = vector.load %arg6[%swap3A_889, %swap3A_890] : memref<8x128xi32, #tpu.memory_space<vmem>>, vector<1x128xi32>
      tpu.vector_store %arg6[%swap3A_889, %swap3A_890], %broadcast_in_dim3A_888 {strides = array<i32>} : memref<8x128xi32, #tpu.memory_space<vmem>>, vector<1x128xi32>,
      %broadcast_in_dim3A_892 = arith.constant 0 : i32
      %broadcast_in_dim3A_893 = vector.broadcast %broadcast_in_dim3A_892 : i32 to vector<1x128xi32>
      %swap3A_894 = arith.constant 6 : index
      %swap3A_895 = arith.constant 0 : index
      %swap3A_896 = vector.load %arg6[%swap3A_894, %swap3A_895] : memref<8x128xi32, #tpu.memory_space<vmem>>, vector<1x128xi32>
      tpu.vector_store %arg6[%swap3A_894, %swap3A_895], %broadcast_in_dim3A_893 {strides = array<i32>} : memref<8x128xi32, #tpu.memory_space<vmem>>, vector<1x128xi32>,
      %broadcast_in_dim3A_897 = arith.constant 0 : i32
      %broadcast_in_dim3A_898 = vector.broadcast %broadcast_in_dim3A_897 : i32 to vector<1x128xi32>
      %swap3A_899 = arith.constant 7 : index
      %swap3A_900 = arith.constant 0 : index
      %swap3A_901 = vector.load %arg6[%swap3A_899, %swap3A_900] : memref<8x128xi32, #tpu.memory_space<vmem>>, vector<1x128xi32>
      tpu.vector_store %arg6[%swap3A_899, %swap3A_900], %broadcast_in_dim3A_898 {strides = array<i32>} : memref<8x128xi32, #tpu.memory_space<vmem>>, vector<1x128xi32>,
    } else {
    }
    return
  }
  func.func @transform_0(%arg0: i32) -> (i32, i32) {
    %c0_i32 = arith.constant 0 : i32
    %c0_i32_0 = arith.constant 0 : i32
    return %arg0, %c0_i32 : i32, i32
  }
  func.func @transform_1(%arg0: i32) -> (i32, i32) {
    %c0_i32 = arith.constant 0 : i32
    %c0_i32_0 = arith.constant 0 : i32
    %c0_i32_1 = arith.constant 0 : i32
    return %c0_i32, %c0_i32_0 : i32, i32
  }
  func.func @transform_2(%arg0: i32) -> (i32, i32) {
    %c0_i32 = arith.constant 0 : i32
    %c0_i32_0 = arith.constant 0 : i32
    return %arg0, %c0_i32 : i32, i32
  }
  func.func @transform_3(%arg0: i32) -> (i32, i32) {
    %c0_i32 = arith.constant 0 : i32
    %c0_i32_0 = arith.constant 0 : i32
    return %arg0, %c0_i32 : i32, i32
  }
  func.func @transform_4(%arg0: i32) -> (i32, i32) {
    %c0_i32 = arith.constant 0 : i32
    %c0_i32_0 = arith.constant 0 : i32
    %c0_i32_1 = arith.constant 0 : i32
    return %c0_i32, %c0_i32_0 : i32, i32
  }
  func.func @transform_5(%arg0: i32) -> (i32, i32) {
    %c0_i32 = arith.constant 0 : i32
    %c0_i32_0 = arith.constant 0 : i32
    %c0_i32_1 = arith.constant 0 : i32
    return %c0_i32, %c0_i32_0 : i32, i32
  }
  func.func @transform_6(%arg0: i32) -> (i32, i32) {
    %c0_i32 = arith.constant 0 : i32
    %c0_i32_0 = arith.constant 0 : i32
    %c0_i32_1 = arith.constant 0 : i32
    return %c0_i32, %c0_i32_0 : i32, i32
  }
}

</mosaic_0001>

<sc_bundles>
// kernel: kernel.6.cloned.1.call-start
scs
__scs_entry_jumppad:
0x0: {  	(pc) =	sbr.rel $0x88, $3  }
0x1: {  	(tag) =	ssettag $0x0;
	lr =	simm.s32 $0x1  }
0x2: {  	[smem:$0x3F9B] =	sst lr;
	_ =	strace $0xD0000000  }
0x3: {  	_ = 	snop  }
0x4: {  	_ = 	snop  }
0x5: {  	_ = 	snop  }
0x6: {  	_ = 	snop  }
0x7: {  	_ = 	snop  }
__scs_overlays_trampoline_lowered:
0x8: {  	[smem:$0x3FAA] =	sst s0  }
0x9: {  	[smem:$0x3FAB] =	sst s1  }
0xa: {  	[smem:$0x3FAC] =	sst s2  }
0xb: {  	[smem:$0x3FAD] =	sst s3  }
0xc: {  	[smem:$0x3FAE] =	sst s4  }
0xd: {  	[smem:$0x3FAF] =	sst s5  }
0xe: {  	[smem:$0x3FB0] =	sst s6  }
0xf: {  	[smem:$0x3FB1] =	sst s7  }
0x10: {  	[smem:$0x3FB2] =	sst s8  }
0x11: {  	[smem:$0x3FB3] =	sst s9;
	s0 =	simm.s32 @!p0 $0x0  }
0x12: {  	s1 =	sld [smem:$0x3F99];
	s0 =	simm.s32 @p0 $0x1  }
0x13: {  	[smem:$0x3FB4] =	sst s0;
	s0 =	simm.s32 @!p1 $0x0  }
0x14: {  	s2 =	sld [smem:$0x3F98];
	s0 =	simm.s32 @p1 $0x1  }
0x15: {  	[smem:$0x3FB5] =	sst s0;
	s0 =	simm.s32 @!p2 $0x0  }
0x16: {  	s3 =	sld [smem:$0x3FDB];
	s0 =	simm.s32 @p2 $0x1  }
0x17: {  	s4 =	simm.s32 $0x1BF5;
	[smem:$0x3FB7] =	sst s0  }
0x18: {  	s0 =	sld [smem:$0x3F9A];
	_ =	swait.ge [sflag:s4], $0x0  }
0x19: {  	s7 =	sld [smem:$0x3F9B]  }
0x1a: {  	s8 =	sadd.s32 $0xFFFFE003, lr  }
0x1b: {  	s9 =	sadd.s32 $0xFFFFFEF7, lr;
	s5 =	simm.s32 $0xFFFFFFFF;
	p2 =	slt.u32 s8, $0xFFFFF086  }
0x1c: {  	p1 =	slt.u32 s9, $0xF7A;
	s5 =	simm.s32 @!p2 $0x0  }
0x1d: {  	s5 =	simm.s32 @p1 $0x1;
	p0 =	seq.s32 s7, s2  }
0x1e: {  	s7 =	smul.u32 @!p0 $0xF7A, s2;
	p2 =	seq.s32 @!p0 s5, $0x0  }
0x1f: {  	s9 =	smul.u32 $0xF7A, s1;
	s8 =	simm.s32 @!p0 $0x1BF5;
	p2 =	por !p2, p0  }
0x20: {  	[sflag:s8] =	ssyncset.s32 @!p0 $0xFFFFF086;
	s6 =	sadd.s32 @!p0 s3, s7;
	s7 =	simm.s32 @!p0 $0x108  }
0x21: {  	s3 =	sadd.s32 s3, s9;
	s6 =	sadd.s32 @!p0 $0x88, s6;
	s7 =	simm.s32 @p2 $0x1082  }
0x22: {  	[simem:s7], [sflag:s8] =	dma.local @!p0 [hbm:s6], $0xF7A  }
0x23: {  	s9 =	sor.u32 $0xD0000000, s2;
	s6 =	simm.s32 $0x108;
	_ =	swait.ge @!p0 [sflag:s8], $0x0  }
0x24: {  	s3 =	sadd.s32 $0x88, s3;
	s6 =	simm.s32 @!p1 $0x1082;
	[sflag:s4] =	ssyncset.s32 $0xFFFFF086  }
0x25: {  	[simem:s6], [sflag:s4] =	dma.local [hbm:s3], $0xF7A  }
0x26: {  	[smem:$0x3F9B] =	sst s1;
	(tag) =	ssettag s2;
	_ =	strace s9  }
0x27: {  	s1 =	sld [smem:$0x3FAB]  }
0x28: {  	s2 =	sld [smem:$0x3FAC]  }
0x29: {  	s4 =	sld [smem:$0x3FAE]  }
0x2a: {  	p0 =	seq.s32 s5, $0x0;
	s5 =	sld [smem:$0x3FAF]  }
0x2b: {  	s6 =	sld [smem:$0x3FB0]  }
0x2c: {  	s7 =	sld [smem:$0x3FB1]  }
0x2d: {  	s3 =	simm.s32 $0x108;
	s8 =	sld [smem:$0x3FB2]  }
0x2e: {  	s3 =	simm.s32 @!p0 $0x1082;
	s9 =	sld [smem:$0x3FB3]  }
0x2f: {  	lr =	sadd.s32 s0, s3;
	s0 =	sld [smem:$0x3FAA]  }
0x30: {  	s3 =	sld [smem:$0x3FAD]  }
0x31: {  	[smem:$0x3FB6] =	sst s10  }
0x32: {  	s10 =	sld [smem:$0x3FB4];
	_ =	sdelay $0x3  }
0x33: {  	p0 =	seq.s32 s10, $0x1;
	s10 =	sld [smem:$0x3FB6];
	_ =	sdelay $0x3  }
0x34: {  	[smem:$0x3FB6] =	sst s10  }
0x35: {  	s10 =	sld [smem:$0x3FB5];
	_ =	sdelay $0x3  }
0x36: {  	p1 =	seq.s32 s10, $0x1;
	s10 =	sld [smem:$0x3FB6];
	_ =	sdelay $0x3  }
0x37: {  	[smem:$0x3FB6] =	sst s10  }
0x38: {  	s10 =	sld [smem:$0x3FB7]  }
0x39: {  	_ = 	snop;
	(pc) =	sbr.ind lr, $3  }
0x3a: {  	_ = 	snop  }
0x3b: {  	_ = 	snop  }
0x3c: {  	p2 =	seq.s32 s10, $0x1;
	s10 =	sld [smem:$0x3FB6]  }
0x3d: {  	_ =	shalt  }
0x3e: {  	_ =	shalt  }
0x3f: {  	_ =	shalt  }
0x40: {  	_ =	shalt  }
0x41: {  	_ =	shalt  }
0x42: {  	_ =	shalt  }
0x43: {  	_ =	shalt  }
0x44: {  	_ =	shalt  }
0x45: {  	_ =	shalt  }
0x46: {  	_ =	shalt  }
0x47: {  	_ =	shalt  }
0x48: {  	_ =	shalt  }
0x49: {  	_ =	shalt  }
0x4a: {  	_ =	shalt  }
0x4b: {  	_ =	shalt  }
0x4c: {  	_ =	shalt  }
0x4d: {  	_ =	shalt  }
0x4e: {  	_ =	shalt  }
0x4f: {  	_ =	shalt  }
0x50: {  	_ =	shalt  }
0x51: {  	_ =	shalt  }
0x52: {  	_ =	shalt  }
0x53: {  	_ =	shalt  }
0x54: {  	_ =	shalt  }
0x55: {  	_ =	shalt  }
0x56: {  	_ =	shalt  }
0x57: {  	_ =	shalt  }
0x58: {  	_ =	shalt  }
0x59: {  	_ =	shalt  }
0x5a: {  	_ =	shalt  }
0x5b: {  	_ =	shalt  }
0x5c: {  	_ =	shalt  }
0x5d: {  	_ =	shalt  }
0x5e: {  	_ =	shalt  }
0x5f: {  	_ =	shalt  }
0x60: {  	_ =	shalt  }
0x61: {  	_ =	shalt  }
0x62: {  	_ =	shalt  }
0x63: {  	_ =	shalt  }
0x64: {  	_ =	shalt  }
0x65: {  	_ =	shalt  }
0x66: {  	_ =	shalt  }
0x67: {  	_ =	shalt  }
0x68: {  	_ =	shalt  }
0x69: {  	_ =	shalt  }
0x6a: {  	_ =	shalt  }
0x6b: {  	_ =	shalt  }
0x6c: {  	_ =	shalt  }
0x6d: {  	_ =	shalt  }
0x6e: {  	_ =	shalt  }
0x6f: {  	_ =	shalt  }
0x70: {  	_ =	shalt  }
0x71: {  	_ =	shalt  }
0x72: {  	_ =	shalt  }
0x73: {  	_ =	shalt  }
0x74: {  	_ =	shalt  }
0x75: {  	_ =	shalt  }
0x76: {  	_ =	shalt  }
0x77: {  	_ =	shalt  }
0x78: {  	_ =	shalt  }
0x79: {  	_ =	shalt  }
0x7a: {  	_ =	shalt  }
0x7b: {  	_ =	shalt  }
0x7c: {  	_ =	shalt  }
0x7d: {  	_ =	shalt  }
0x7e: {  	_ =	shalt  }
0x7f: {  	_ =	shalt  }
0x80: {  	_ =	shalt  }
0x81: {  	_ =	shalt  }
0x82: {  	_ =	shalt  }
0x83: {  	_ =	shalt  }
0x84: {  	_ =	shalt  }
0x85: {  	_ =	shalt  }
0x86: {  	_ =	shalt  }
0x87: {  	_ =	shalt  }
.Lfunc_end0:
.L_simem_size_0:
called_computation_lowered:
.L_overlay_start_0:
0x88: {  	s2 =	sld [smem:$0x3FD9]  }
0x89: {  	s3 =	sld [smem:$0x3FFE];
	_ =	sdelay $0x1  }
0x8a: {  	s1 =	srdreg.scid  }
0x8b: {  	s0 =	sand.u32 $0x1, s1  }
0x8c: {  	s14 =	sshll.u32 s0, $0xA;
	s2 =	sadd.s32 s3, s2  }
0x8d: {  	s2 =	sadd.s32 s2, s14  }
0x8e: {  	[smem:$0x3FC2] =	sst s2  }
0x8f: {  	_ = 	snop  }
0x90: {  	s2 =	sld [smem:$0x3FD0];
	_ =	sdelay $0x2  }
0x91: {  	s4 =	simm.s32 $0xA;
	s5 =	simm.s32 $0x10;
	s15 =	sld [smem:$0x3FC9]  }
0x92: {  	[smem:s5], [sflag:s4] =	dma.local [hbm:s2], $0x1  }
0x93: {  	_ =	swait.eq [sflag:s4], $0x1  }
0x94: {  	[sflag:s4] =	ssyncset.done $0x0  }
0x95: {  	[sflag:s4] =	ssyncadd.s32 $0xFFFFFFFF  }
0x96: {  	s16 =	sld [smem:$0x10];
	(tm) =	ssettm $0x1  }
0x97: {  	s17 =	sld [smem:$0x3FFB];
	_ =	sdelay $0x3  }
0x98: {  	_ =	strace s17  }
0x99: {  	s4 =	sld [smem:$0x3FFC];
	_ =	sdelay $0x3  }
0x9a: {  	_ =	strace s4  }
0x9b: {  	s4 =	sld [smem:$0x3FFD];
	_ =	sdelay $0x3  }
0x9c: {  	_ =	strace s4  }
0x9d: {  	_ =	strace $0x8FFFFFFF  }
0x9e: {  	s18 =	sld [smem:$0x3FDB];
	_ =	sdelay $0x1  }
0x9f: {  	s19 =	simm.s32 $_scs_section_size  }
0xa0: {  	s6 =	simm.s32 $_size__tile_overlayer_lowered;
	s7 =	simm.s32 $_tile_overlayer_lowered  }
0xa1: {  	s22 =	simm.s32 $0x1BFF;
	s21 =	sshll.u32 s7, $0x1;
	s4 =	sadd.s32 s19, s18  }
0xa2: {  	s8 =	simm.s32 $0x0;
	s20 =	sshll.u32 s6, $0x1;
	s6 =	sadd.s32 s21, s4  }
0xa3: {  	[timem:s8], [sflag:s22] =	dma.local [hbm:s6], s20  }
0xa4: {  	_ =	swait.ge [sflag:s22], s20  }
0xa5: {  	s5 =	ssub.s32 $0x0, s20;
	[sflag:s22] =	ssyncset.done $0x0  }
0xa6: {  	[sflag:s22] =	ssyncadd.s32 s5;
	_ =	sdelay $0x1  }
0xa7: {  	s23 =	simm.s32 $0x1B8B  }
0xa8: {  	_ =	swait.ge [sflag:s23], $0x1  }
0xa9: {  	[sflag:s23] =	ssyncset.done $0x0  }
0xaa: {  	s25 =	simm.s32 $0x1B8E;
	s24 =	sld [smem:$0x3FFE];
	[sflag:s23] =	ssyncadd.s32 $0xFFFFFFFF  }
0xab: {  	s26 =	simm.s32 $execute0_lowered;
	[smem:$0x3FD2] =	sst s25  }
0xac: {  	s6 =	sshll.u32 s26, $0x1;
	_ =	strace $0x80000046;
	[dreg:$0x1] =	wrdreg $0xFFFFFFFF  }
0xad: {  	s28 =	simm.s32 $_size_execute0_lowered;
	s4 =	sadd.s32 s4, s6;
	[dreg:$0x0] =	wrdreg $0x0  }
0xae: {  	s6 =	sshll.u32 s28, $0x1;
	[dreg:$0x2] =	wrdreg s4  }
0xaf: {  	[dreg:$0x3] =	wrdreg s6  }
0xb0: {  	[dreg:$0x4] =	wrdreg $0xC0  }
0xb1: {  	_ =	task [dreg:s8], $0x5FFFF  }
0xb2: {  	[dreg:$0x1] =	wrdreg $0xFFFFFFFF  }
0xb3: {  	[dreg:$0x0] =	wrdreg $0x60  }
0xb4: {  	[dreg:$0x2] =	wrdreg s24  }
0xb5: {  	[dreg:$0x3] =	wrdreg s15  }
0xb6: {  	[dreg:$0x4] =	wrdreg s16  }
0xb7: {  	[dreg:$0x5] =	wrdreg $0x9  }
0xb8: {  	_ =	task.clear_ibuf [dreg:s8], $0x6FFFF;
	_ =	strace $0x90000046  }
0xb9: {  	s29 =	simm.s32 $0x9;
	_ =	strace $0x80000048  }
0xba: {  	_ =	swait.ge [sflag:s29], $0x1  }
0xbb: {  	[sflag:s29] =	ssyncadd.s32 $0xFFFFFFFF  }
0xbc: {  	_ =	strace $0x90000048  }
0xbd: {  	_ =	sfence  }
0xbe: {  	s30 =	sld [smem:$0x0];
	_ =	sdelay $0x2  }
0xbf: {  	s31 =	sshll.u32 s1, $0xD;
	s1 =	sshrl.u32 s1, $0x2  }
0xc0: {  	s3 =	sand.u32 $0x4000, s31;
	s1 =	sadd.s32 s1, s30  }
0xc1: {  	s0 =	sor.u32 s3, s0;
	s1 =	sshll.u32 s1, $0x11  }
0xc2: {  	s0 =	sor.u32 s1, s0  }
0xc3: {  	s0 =	sadd.s32 $0x8F2B, s0  }
0xc4: {  	[sflag:s0] =	ssyncadd.remote.s32 $0x1  }
0xc5: {  	_ =	sfence.sel $0xFFFF  }
0xc6: {  	[dreg:$0x0] =	wrdreg $0xFFFFFFFF;
	(pc) =	sbr.abs _section_cstart, $3  }
0xc7: {  	[dreg:$0x1] =	wrdreg $0xFFFFFFFF  }
0xc8: {  	_ =	task.clear_ibuf [dreg:s8], $0x2FFFF;
	_ =	strace $0x9FFFFFFF  }
0xc9: {  	(tm) =	ssettm $0x7FFFFFFF  }
tec
execute0_lowered:
.L_overlay_start_1:
0x0: {  	(tag) =	ssettag $0x1  }
0x1: {  	s4 =	rddreg [dreg:$0x0]  }
0x2: {  	s1 =	srdreg.scid;
	s0 =	stileid.u32  }
0x3: {  	s5 =	rddreg [dreg:$0x1];
	s1 =	sand.u32 $0x1, s1;
	s3 =	sshll.u32 s0, $0x1  }
0x4: {  	s2 =	rddreg [dreg:$0x2];
	s6 =	sor.u32 s1, s3;
	s3 =	simm.s32 $0x0  }
0x5: {  	s17 =	simm.s32 $0x80;
	[smem:$0x7FF] =	sst s3  }
0x6: {  	s18 =	simm.s32 $0xA80;
	_ =	strace $0x80000047;
	[dreg:$0xb] =	wrdreg s17  }
0x7: {  	s19 =	simm.s32 $0x1280;
	[dreg:$0xc] =	wrdreg s18  }
0x8: {  	s20 =	simm.s32 $0x1A80;
	[dreg:$0xd] =	wrdreg s19  }
0x9: {  	s21 =	simm.s32 $0x2280;
	[dreg:$0xe] =	wrdreg s20  }
0xa: {  	s22 =	simm.s32 $0x2A80;
	[dreg:$0xf] =	wrdreg s21  }
0xb: {  	s23 =	simm.s32 $0x3280;
	[dreg:$0x10] =	wrdreg s22  }
0xc: {  	s24 =	simm.s32 $0x3A80;
	[dreg:$0x11] =	wrdreg s23  }
0xd: {  	s25 =	simm.s32 $0x4280;
	[dreg:$0x12] =	wrdreg s24  }
0xe: {  	s26 =	simm.s32 $0x4A80;
	s11 =	simm.s32 $0x8A80;
	[dreg:$0x13] =	wrdreg s25  }
0xf: {  	s12 =	simm.s32 $0x9280;
	s0 =	simm.s32 $0x5280;
	[dreg:$0x14] =	wrdreg s26  }
0x10: {  	s28 =	simm.s32 $0x16A80;
	s29 =	simm.s32 $0x17280;
	[dreg:$0x15] =	wrdreg s0  }
0x11: {  	s30 =	simm.s32 $0x17A80;
	s31 =	simm.s32 $0x100;
	[dreg:$0x1c] =	wrdreg s11  }
0x12: {  	s1 =	ssub.s32 $0x2, s1;
	[dreg:$0x1d] =	wrdreg s12;
	s17 =	simm.s32 $0xB280  }
0x13: {  	s7 =	sshll.u32 s6, $0x4;
	s18 =	simm.s32 $0xBA80;
	[smem:$0x7F4] =	sst s17  }
0x14: {  	s6 =	smul.u32 $0x3000, s6;
	s19 =	simm.s32 $0xCA80;
	[smem:$0x7F5] =	sst s18  }
0x15: {  	s8 =	sor.u32 $0x8, s7;
	s20 =	simm.s32 $0xD280;
	[smem:$0x7F6] =	sst s19  }
0x16: {  	s10 =	sadd.s32 s7, s4;
	s21 =	simm.s32 $0xDA80;
	[smem:$0x7F7] =	sst s20  }
0x17: {  	s4 =	sadd.s32 $0x1E00, s4;
	s22 =	simm.s32 $0xE280;
	[smem:$0x7F8] =	sst s21  }
0x18: {  	s11 =	simm.s32 $0x3;
	s23 =	simm.s32 $0xEA80;
	[smem:$0x7F9] =	sst s22  }
0x19: {  	s12 =	simm.s32 $0x4;
	s24 =	simm.s32 $0xF280;
	[smem:$0x7FA] =	sst s23  }
0x1a: {  	s25 =	simm.s32 $0xFA80;
	s26 =	simm.s32 $0x10280;
	[smem:$0x7FB] =	sst s24  }
0x1b: {  	s9 =	smul.u32 $0x300, s8;
	s6 =	sadd.s32 s5, s6;
	[smem:$0x7FC] =	sst s25  }
0x1c: {  	s13 =	sadd.s32 $0x1800, s10;
	s14 =	sadd.s32 $0x1A00, s10;
	[smem:$0x7FD] =	sst s26  }
0x1d: {  	s15 =	sadd.s32 $0x1C00, s10;
	s16 =	sadd.s32 s4, s7;
	[dreg:$0x4] =	wrdreg s6  }
0x1e: {  	s4 =	sadd.s32 s4, s8;
	s7 =	simm.s32 $0x6A80;
	[dreg:$0x6] =	wrdreg s13  }
0x1f: {  	s8 =	simm.s32 $0x7280;
	s10 =	simm.s32 $0x8280;
	[dreg:$0x7] =	wrdreg s14  }
0x20: {  	s17 =	simm.s32 $0x11A80;
	s18 =	simm.s32 $0x12280;
	[dreg:$0x8] =	wrdreg s15  }
0x21: {  	s19 =	simm.s32 $0x12A80;
	s20 =	simm.s32 $0x13280;
	[dreg:$0x9] =	wrdreg s16  }
0x22: {  	s21 =	simm.s32 $0x13A80;
	s22 =	simm.s32 $0x14280;
	[dreg:$0xa] =	wrdreg s4  }
0x23: {  	s23 =	simm.s32 $0x14A80;
	s24 =	simm.s32 $0x15280;
	[dreg:$0x18] =	wrdreg s7  }
0x24: {  	s25 =	simm.s32 $0x15A80;
	s26 =	simm.s32 $0x16280;
	[dreg:$0x19] =	wrdreg s8  }
0x25: {  	s6 =	simm.s32 $0x6280;
	[dreg:$0x1b] =	wrdreg s10;
	s13 =	sshrl.u32 s1, $0x1  }
0x26: {  	s14 =	simm.s32 $0x9A80;
	s15 =	simm.s32 $0xA280;
	s4 =	sadd.s32 $0x100, s2  }
0x27: {  	s16 =	simm.s32 $0xAA80;
	s7 =	simm.s32 $0x280;
	[dreg:$0x17] =	wrdreg s6  }
0x28: {  	s8 =	simm.s32 $0xC280;
	s10 =	simm.s32 $0x5;
	[dreg:$0x1e] =	wrdreg s14  }
0x29: {  	s5 =	sadd.s32 s5, s9;
	s9 =	simm.s32 $0x7A80;
	[dreg:$0x1f] =	wrdreg s15  }
0x2a: {  	s1 =	ssub.s32 s1, s13;
	[smem:$0x7F3] =	sst s16;
	s13 =	simm.s32 $0x1  }
0x2b: {  	v2 =	vlaneseq.u32;
	s14 =	simm.s32 $0x2;
	[dreg:$0x5] =	wrdreg s5;
	s5 =	simm.s32 $0x5A80  }
0x2c: {  	vm0 =	vmmov $0xffff;
	v1 =	vshrl.u32 v2, $0x3;
	[dreg:$0x1a] =	wrdreg s9;
	s6 =	smax.u32 s1, $0x1;
	s9 =	simm.s32 $0x200  }
0x2d: {  	v0 =	vand.u32 $0x7, v2;
	v2 =	vor.u32 $0x8, v2;
	v1 =	vmul.u32 $0x8, v1;
	s1 =	simm.s32 $0x180;
	[dreg:$0x16] =	wrdreg s5;
	s5 =	sadd.s32 $0x200, s2  }
.LBB2_1:
0x2e: {  	s0 =	rddreg [dreg:$0x4]  }
0x2f: {  	s15 =	rddreg [dreg:$0x5]  }
0x30: {  	[tilespmem:s7], [sflag:$0x1] =	stream.linear.gather [hbm4b:s0+s3], $0xC000, $0x38;
	[tilespmem:$0x18280] =	vst v63  }
0x31: {  	s16 =	rddreg [dreg:$0xb]  }
0x32: {  	[tilespmem:s8], [sflag:$0x2] =	stream.linear.gather [hbm4b:s15+s3], $0xC000, $0x38;
	[tilespmem:$0x18280] =	vst v63  }
0x33: {  	s0 =	rddreg [dreg:$0x6]  }
0x34: {  	[tilespmem:s3], [sflag:$0x3] =	stream.linear.gather [hbm4b:s0+s3], $0x80, $0x38;
	[tilespmem:$0x18280] =	vst v63  }
0x35: {  	s15 =	rddreg [dreg:$0x7]  }
0x36: {  	[tilespmem:s16], [sflag:$0x4] =	stream.linear.gather [hbm4b:s15+s3], $0x80, $0x38;
	[tilespmem:$0x18280] =	vst v63  }
0x37: {  	s0 =	rddreg [dreg:$0x8]  }
0x38: {  	[tilespmem:s9], [sflag:$0x5] =	stream.linear.gather [hbm4b:s0+s3], $0x80, $0x38;
	[tilespmem:$0x18280] =	vst v63  }
0x39: {  	_ =	swait.ge [sflag:s10], $0x80  }
0x3a: {  	[sflag:s10] =	ssyncset.done $0x0  }
0x3b: {  	[sflag:s10] =	ssyncadd.s32 $0xFFFFFF80  }
0x3c: {  	_ =	swait.ge [sflag:s11], $0x80  }
0x3d: {  	[sflag:s11] =	ssyncset.done $0x0  }
0x3e: {  	[sflag:s11] =	ssyncadd.s32 $0xFFFFFF80  }
0x3f: {  	_ =	swait.ge [sflag:s12], $0x80  }
0x40: {  	[sflag:s12] =	ssyncset.done $0x0  }
0x41: {  	[sflag:s12] =	ssyncadd.s32 $0xFFFFFF80  }
0x42: {  	v3 =	vld [tilespmem:$0x0];
	_ =	sdelay $0x5  }
0x43: {  	v4 =	vld [tilespmem:$0x10]  }
0x44: {  	v5 =	vld [tilespmem:$0x80]  }
0x45: {  	v3 =	vld.idx.msk [tilespmem:v3+s9+$0x0], $0xffff;
	_ =	sdelay $0x4  }
0x46: {  	v43 =	vld [tilespmem:$0x20];
	v3 =	vadd.s32 v3, v5  }
0x47: {  	v44 =	vld [tilespmem:$0x90];
	[tilespmem:$0x100] =	vst v3  }
0x48: {  	v3 =	vld.idx.msk [tilespmem:v4+s9+$0x0], $0xffff;
	_ =	sdelay $0x4  }
0x49: {  	v45 =	vld [tilespmem:$0x30];
	v3 =	vadd.s32 v3, v44  }
0x4a: {  	v46 =	vld [tilespmem:$0xA0];
	[tilespmem:$0x110] =	vst v3  }
0x4b: {  	v3 =	vld.idx.msk [tilespmem:v43+s9+$0x0], $0xffff;
	_ =	sdelay $0x4  }
0x4c: {  	v47 =	vld [tilespmem:$0x40];
	v3 =	vadd.s32 v3, v46  }
0x4d: {  	v48 =	vld [tilespmem:$0xB0];
	[tilespmem:$0x120] =	vst v3  }
0x4e: {  	v3 =	vld.idx.msk [tilespmem:v45+s9+$0x0], $0xffff;
	_ =	sdelay $0x4  }
0x4f: {  	v49 =	vld [tilespmem:$0x50];
	v3 =	vadd.s32 v3, v48  }
0x50: {  	v50 =	vld [tilespmem:$0xC0];
	[tilespmem:$0x130] =	vst v3  }
0x51: {  	v3 =	vld.idx.msk [tilespmem:v47+s9+$0x0], $0xffff;
	_ =	sdelay $0x4  }
0x52: {  	v51 =	vld [tilespmem:$0x60];
	v3 =	vadd.s32 v3, v50  }
0x53: {  	v52 =	vld [tilespmem:$0xD0];
	[tilespmem:$0x180] =	vst v3  }
0x54: {  	v3 =	vld.idx.msk [tilespmem:v49+s9+$0x0], $0xffff;
	_ =	sdelay $0x4  }
0x55: {  	v53 =	vld [tilespmem:$0x70];
	v3 =	vadd.s32 v3, v52  }
0x56: {  	v54 =	vld [tilespmem:$0xE0];
	[tilespmem:$0x190] =	vst v3  }
0x57: {  	v3 =	vld.idx.msk [tilespmem:v51+s9+$0x0], $0xffff;
	_ =	sdelay $0x4  }
0x58: {  	v3 =	vadd.s32 v3, v54  }
0x59: {  	v55 =	vld [tilespmem:$0xF0];
	[tilespmem:$0x1A0] =	vst v3  }
0x5a: {  	v3 =	vld.idx.msk [tilespmem:v53+s9+$0x0], $0xffff;
	_ =	sdelay $0x4  }
0x5b: {  	v3 =	vadd.s32 v3, v55  }
0x5c: {  	[tilespmem:$0x1B0] =	vst v3  }
0x5d: {  	_ =	swait.ge [sflag:s13], $0xC000  }
0x5e: {  	[sflag:s13] =	ssyncset.done $0x0  }
0x5f: {  	[sflag:s13] =	ssyncadd.s32 $0xFFFF4000  }
0x60: {  	v3 =	vld [tilespmem:$0x100];
	_ =	sdelay $0x4  }
0x61: {  	v56 =	vshrl.u32 v3, $0x3  }
0x62: {  	v4 =	vmul.u32 $0x30, v56  }
0x63: {  	v3 =	vand.u32 $0x7, v3  }
0x64: {  	v3 =	vor.u32 v3, v4  }
0x65: {  	v4 =	vperm.xlane v3, v0;
	_ =	sdelay $0x1  }
0x66: {  	v4 =	vadd.s32 v1, v4;
	_ =	sdelay $0x3  }
0x67: {  	v3 =	vperm.xlane v3, v2  }
0x68: {  	[hbm4b:s2+s3] =	stream.indirect_vreg.scatter [tilespmem:s7], [sflag:$0x3], $0x80, v4, vm0, $0xb8;
	[tilespmem:$0x18280] =	vst v63  }
0x69: {  	s16 =	rddreg [dreg:$0xc];
	v3 =	vadd.s32 v1, v3  }
0x6a: {  	[hbm4b:s4+s3] =	stream.indirect_vreg.scatter [tilespmem:s16], [sflag:$0x3], $0x80, v4, vm0, $0xb8;
	[tilespmem:$0x18280] =	vst v63  }
0x6b: {  	s15 =	rddreg [dreg:$0xd]  }
0x6c: {  	[hbm4b:s5+s3] =	stream.indirect_vreg.scatter [tilespmem:s15], [sflag:$0x3], $0x80, v4, vm0, $0xb8;
	[tilespmem:$0x18280] =	vst v63  }
0x6d: {  	s16 =	rddreg [dreg:$0xe]  }
0x6e: {  	[hbm4b:s2+s3] =	stream.indirect_vreg.scatter [tilespmem:s16], [sflag:$0x3], $0x80, v3, vm0, $0xb8;
	[tilespmem:$0x18280] =	vst v63  }
0x6f: {  	s15 =	rddreg [dreg:$0xf]  }
0x70: {  	[hbm4b:s4+s3] =	stream.indirect_vreg.scatter [tilespmem:s15], [sflag:$0x3], $0x80, v3, vm0, $0xb8;
	[tilespmem:$0x18280] =	vst v63  }
0x71: {  	s16 =	rddreg [dreg:$0x10]  }
0x72: {  	[hbm4b:s5+s3] =	stream.indirect_vreg.scatter [tilespmem:s16], [sflag:$0x3], $0x80, v3, vm0, $0xb8;
	[tilespmem:$0x18280] =	vst v63  }
0x73: {  	v3 =	vld [tilespmem:$0x110];
	_ =	sdelay $0x4  }
0x74: {  	v57 =	vshrl.u32 v3, $0x3  }
0x75: {  	v4 =	vmul.u32 $0x30, v57  }
0x76: {  	v3 =	vand.u32 $0x7, v3  }
0x77: {  	v3 =	vor.u32 v3, v4  }
0x78: {  	v4 =	vperm.xlane v3, v0;
	_ =	sdelay $0x1  }
0x79: {  	v4 =	vadd.s32 v1, v4;
	_ =	sdelay $0x3  }
0x7a: {  	s15 =	rddreg [dreg:$0x11];
	v3 =	vperm.xlane v3, v2  }
0x7b: {  	[hbm4b:s2+s3] =	stream.indirect_vreg.scatter [tilespmem:s15], [sflag:$0x3], $0x80, v4, vm0, $0xb8;
	[tilespmem:$0x18280] =	vst v63  }
0x7c: {  	s16 =	rddreg [dreg:$0x12];
	v3 =	vadd.s32 v1, v3  }
0x7d: {  	[hbm4b:s4+s3] =	stream.indirect_vreg.scatter [tilespmem:s16], [sflag:$0x3], $0x80, v4, vm0, $0xb8;
	[tilespmem:$0x18280] =	vst v63  }
0x7e: {  	s0 =	rddreg [dreg:$0x13]  }
0x7f: {  	[hbm4b:s5+s3] =	stream.indirect_vreg.scatter [tilespmem:s0], [sflag:$0x3], $0x80, v4, vm0, $0xb8;
	[tilespmem:$0x18280] =	vst v63  }
0x80: {  	s16 =	rddreg [dreg:$0x14]  }
0x81: {  	[hbm4b:s2+s3] =	stream.indirect_vreg.scatter [tilespmem:s16], [sflag:$0x3], $0x80, v3, vm0, $0xb8;
	[tilespmem:$0x18280] =	vst v63  }
0x82: {  	s0 =	rddreg [dreg:$0x15]  }
0x83: {  	[hbm4b:s4+s3] =	stream.indirect_vreg.scatter [tilespmem:s0], [sflag:$0x3], $0x80, v3, vm0, $0xb8;
	[tilespmem:$0x18280] =	vst v63  }
0x84: {  	s16 =	rddreg [dreg:$0x16]  }
0x85: {  	[hbm4b:s5+s3] =	stream.indirect_vreg.scatter [tilespmem:s16], [sflag:$0x3], $0x80, v3, vm0, $0xb8;
	[tilespmem:$0x18280] =	vst v63  }
0x86: {  	v3 =	vld [tilespmem:$0x120];
	_ =	sdelay $0x4  }
0x87: {  	v58 =	vshrl.u32 v3, $0x3  }
0x88: {  	v4 =	vmul.u32 $0x30, v58  }
0x89: {  	v3 =	vand.u32 $0x7, v3  }
0x8a: {  	v3 =	vor.u32 v3, v4  }
0x8b: {  	v4 =	vperm.xlane v3, v0;
	_ =	sdelay $0x1  }
0x8c: {  	v4 =	vadd.s32 v1, v4;
	_ =	sdelay $0x3  }
0x8d: {  	s15 =	rddreg [dreg:$0x17];
	v3 =	vperm.xlane v3, v2  }
0x8e: {  	[hbm4b:s2+s3] =	stream.indirect_vreg.scatter [tilespmem:s15], [sflag:$0x3], $0x80, v4, vm0, $0xb8;
	[tilespmem:$0x18280] =	vst v63  }
0x8f: {  	s16 =	rddreg [dreg:$0x18];
	v3 =	vadd.s32 v1, v3  }
0x90: {  	[hbm4b:s4+s3] =	stream.indirect_vreg.scatter [tilespmem:s16], [sflag:$0x3], $0x80, v4, vm0, $0xb8;
	[tilespmem:$0x18280] =	vst v63  }
0x91: {  	s0 =	rddreg [dreg:$0x19]  }
0x92: {  	[hbm4b:s5+s3] =	stream.indirect_vreg.scatter [tilespmem:s0], [sflag:$0x3], $0x80, v4, vm0, $0xb8;
	[tilespmem:$0x18280] =	vst v63  }
0x93: {  	s16 =	rddreg [dreg:$0x1a]  }
0x94: {  	[hbm4b:s2+s3] =	stream.indirect_vreg.scatter [tilespmem:s16], [sflag:$0x3], $0x80, v3, vm0, $0xb8;
	[tilespmem:$0x18280] =	vst v63  }
0x95: {  	s0 =	rddreg [dreg:$0x1b]  }
0x96: {  	[hbm4b:s4+s3] =	stream.indirect_vreg.scatter [tilespmem:s0], [sflag:$0x3], $0x80, v3, vm0, $0xb8;
	[tilespmem:$0x18280] =	vst v63  }
0x97: {  	s16 =	rddreg [dreg:$0x1c]  }
0x98: {  	[hbm4b:s5+s3] =	stream.indirect_vreg.scatter [tilespmem:s16], [sflag:$0x3], $0x80, v3, vm0, $0xb8;
	[tilespmem:$0x18280] =	vst v63  }
0x99: {  	v3 =	vld [tilespmem:$0x130];
	_ =	sdelay $0x4  }
0x9a: {  	v59 =	vshrl.u32 v3, $0x3  }
0x9b: {  	v4 =	vmul.u32 $0x30, v59  }
0x9c: {  	v3 =	vand.u32 $0x7, v3  }
0x9d: {  	v3 =	vor.u32 v3, v4  }
0x9e: {  	v4 =	vperm.xlane v3, v0;
	_ =	sdelay $0x1  }
0x9f: {  	v4 =	vadd.s32 v1, v4;
	_ =	sdelay $0x2  }
0xa0: {  	s15 =	rddreg [dreg:$0x1d]  }
0xa1: {  	s0 =	rddreg [dreg:$0x1f];
	v3 =	vperm.xlane v3, v2  }
0xa2: {  	[hbm4b:s2+s3] =	stream.indirect_vreg.scatter [tilespmem:s15], [sflag:$0x3], $0x80, v4, vm0, $0xb8;
	[tilespmem:$0x18280] =	vst v63  }
0xa3: {  	s16 =	rddreg [dreg:$0x1e];
	v3 =	vadd.s32 v1, v3  }
0xa4: {  	[hbm4b:s4+s3] =	stream.indirect_vreg.scatter [tilespmem:s16], [sflag:$0x3], $0x80, v4, vm0, $0xb8;
	[tilespmem:$0x18280] =	vst v63  }
0xa5: {  	s16 =	sld [smem:$0x7F3]  }
0xa6: {  	[hbm4b:s5+s3] =	stream.indirect_vreg.scatter [tilespmem:s0], [sflag:$0x3], $0x80, v4, vm0, $0xb8;
	[tilespmem:$0x18280] =	vst v63  }
0xa7: {  	s0 =	sld [smem:$0x7F4]  }
0xa8: {  	[hbm4b:s2+s3] =	stream.indirect_vreg.scatter [tilespmem:s16], [sflag:$0x3], $0x80, v3, vm0, $0xb8;
	[tilespmem:$0x18280] =	vst v63  }
0xa9: {  	s16 =	sld [smem:$0x7F5]  }
0xaa: {  	[hbm4b:s4+s3] =	stream.indirect_vreg.scatter [tilespmem:s0], [sflag:$0x3], $0x80, v3, vm0, $0xb8;
	[tilespmem:$0x18280] =	vst v63  }
0xab: {  	_ = 	snop  }
0xac: {  	[hbm4b:s5+s3] =	stream.indirect_vreg.scatter [tilespmem:s16], [sflag:$0x3], $0x80, v3, vm0, $0xb8;
	[tilespmem:$0x18280] =	vst v63  }
0xad: {  	_ =	swait.ge [sflag:s14], $0xC000  }
0xae: {  	[sflag:s14] =	ssyncset.done $0x0  }
0xaf: {  	[sflag:s14] =	ssyncadd.s32 $0xFFFF4000  }
0xb0: {  	v3 =	vld [tilespmem:$0x180];
	_ =	sdelay $0x4  }
0xb1: {  	v60 =	vshrl.u32 v3, $0x3  }
0xb2: {  	v4 =	vmul.u32 $0x30, v60  }
0xb3: {  	v3 =	vand.u32 $0x7, v3  }
0xb4: {  	v3 =	vor.u32 v3, v4  }
0xb5: {  	v4 =	vperm.xlane v3, v0;
	_ =	sdelay $0x1  }
0xb6: {  	v4 =	vadd.s32 v1, v4;
	_ =	sdelay $0x3  }
0xb7: {  	s16 =	sld [smem:$0x7F6];
	v3 =	vperm.xlane v3, v2  }
0xb8: {  	[hbm4b:s2+s3] =	stream.indirect_vreg.scatter [tilespmem:s8], [sflag:$0x4], $0x80, v4, vm0, $0xb8;
	[tilespmem:$0x18280] =	vst v63  }
0xb9: {  	s15 =	sld [smem:$0x7F7];
	v3 =	vadd.s32 v1, v3  }
0xba: {  	[hbm4b:s4+s3] =	stream.indirect_vreg.scatter [tilespmem:s16], [sflag:$0x4], $0x80, v4, vm0, $0xb8;
	[tilespmem:$0x18280] =	vst v63  }
0xbb: {  	s16 =	sld [smem:$0x7F8]  }
0xbc: {  	[hbm4b:s5+s3] =	stream.indirect_vreg.scatter [tilespmem:s15], [sflag:$0x4], $0x80, v4, vm0, $0xb8;
	[tilespmem:$0x18280] =	vst v63  }
0xbd: {  	s15 =	sld [smem:$0x7F9]  }
0xbe: {  	[hbm4b:s2+s3] =	stream.indirect_vreg.scatter [tilespmem:s16], [sflag:$0x4], $0x80, v3, vm0, $0xb8;
	[tilespmem:$0x18280] =	vst v63  }
0xbf: {  	s16 =	sld [smem:$0x7FA]  }
0xc0: {  	[hbm4b:s4+s3] =	stream.indirect_vreg.scatter [tilespmem:s15], [sflag:$0x4], $0x80, v3, vm0, $0xb8;
	[tilespmem:$0x18280] =	vst v63  }
0xc1: {  	_ = 	snop  }
0xc2: {  	[hbm4b:s5+s3] =	stream.indirect_vreg.scatter [tilespmem:s16], [sflag:$0x4], $0x80, v3, vm0, $0xb8;
	[tilespmem:$0x18280] =	vst v63  }
0xc3: {  	v3 =	vld [tilespmem:$0x190];
	_ =	sdelay $0x4  }
0xc4: {  	v61 =	vshrl.u32 v3, $0x3  }
0xc5: {  	v4 =	vmul.u32 $0x30, v61  }
0xc6: {  	v3 =	vand.u32 $0x7, v3  }
0xc7: {  	v3 =	vor.u32 v3, v4  }
0xc8: {  	v4 =	vperm.xlane v3, v0;
	_ =	sdelay $0x1  }
0xc9: {  	v4 =	vadd.s32 v1, v4;
	_ =	sdelay $0x1  }
0xca: {  	s16 =	sld [smem:$0x7FB];
	_ =	sdelay $0x1  }
0xcb: {  	s15 =	sld [smem:$0x7FC];
	v3 =	vperm.xlane v3, v2  }
0xcc: {  	[hbm4b:s2+s3] =	stream.indirect_vreg.scatter [tilespmem:s16], [sflag:$0x4], $0x80, v4, vm0, $0xb8;
	[tilespmem:$0x18280] =	vst v63  }
0xcd: {  	v3 =	vadd.s32 v1, v3;
	s16 =	sld [smem:$0x7FD]  }
0xce: {  	[hbm4b:s4+s3] =	stream.indirect_vreg.scatter [tilespmem:s15], [sflag:$0x4], $0x80, v4, vm0, $0xb8;
	[tilespmem:$0x18280] =	vst v63  }
0xcf: {  	_ = 	snop  }
0xd0: {  	[hbm4b:s5+s3] =	stream.indirect_vreg.scatter [tilespmem:s16], [sflag:$0x4], $0x80, v4, vm0, $0xb8;
	[tilespmem:$0x18280] =	vst v63  }
0xd1: {  	s15 =	simm.s32 $0x10A80  }
0xd2: {  	[hbm4b:s2+s3] =	stream.indirect_vreg.scatter [tilespmem:s15], [sflag:$0x4], $0x80, v3, vm0, $0xb8;
	[tilespmem:$0x18280] =	vst v63  }
0xd3: {  	s16 =	simm.s32 $0x11280  }
0xd4: {  	[hbm4b:s4+s3] =	stream.indirect_vreg.scatter [tilespmem:s16], [sflag:$0x4], $0x80, v3, vm0, $0xb8;
	[tilespmem:$0x18280] =	vst v63  }
0xd5: {  	_ = 	snop  }
0xd6: {  	[hbm4b:s5+s3] =	stream.indirect_vreg.scatter [tilespmem:s17], [sflag:$0x4], $0x80, v3, vm0, $0xb8;
	[tilespmem:$0x18280] =	vst v63  }
0xd7: {  	v3 =	vld [tilespmem:$0x1A0];
	_ =	sdelay $0x4  }
0xd8: {  	v62 =	vshrl.u32 v3, $0x3  }
0xd9: {  	v4 =	vmul.u32 $0x30, v62  }
0xda: {  	v3 =	vand.u32 $0x7, v3  }
0xdb: {  	v3 =	vor.u32 v3, v4  }
0xdc: {  	v4 =	vperm.xlane v3, v0;
	_ =	sdelay $0x1  }
0xdd: {  	v4 =	vadd.s32 v1, v4;
	_ =	sdelay $0x3  }
0xde: {  	v3 =	vperm.xlane v3, v2  }
0xdf: {  	[hbm4b:s2+s3] =	stream.indirect_vreg.scatter [tilespmem:s18], [sflag:$0x4], $0x80, v4, vm0, $0xb8;
	[tilespmem:$0x18280] =	vst v63  }
0xe0: {  	v3 =	vadd.s32 v1, v3  }
0xe1: {  	[hbm4b:s4+s3] =	stream.indirect_vreg.scatter [tilespmem:s19], [sflag:$0x4], $0x80, v4, vm0, $0xb8;
	[tilespmem:$0x18280] =	vst v63  }
0xe2: {  	_ = 	snop  }
0xe3: {  	[hbm4b:s5+s3] =	stream.indirect_vreg.scatter [tilespmem:s20], [sflag:$0x4], $0x80, v4, vm0, $0xb8;
	[tilespmem:$0x18280] =	vst v63  }
0xe4: {  	_ = 	snop  }
0xe5: {  	[hbm4b:s2+s3] =	stream.indirect_vreg.scatter [tilespmem:s21], [sflag:$0x4], $0x80, v3, vm0, $0xb8;
	[tilespmem:$0x18280] =	vst v63  }
0xe6: {  	_ = 	snop  }
0xe7: {  	[hbm4b:s4+s3] =	stream.indirect_vreg.scatter [tilespmem:s22], [sflag:$0x4], $0x80, v3, vm0, $0xb8;
	[tilespmem:$0x18280] =	vst v63  }
0xe8: {  	_ = 	snop  }
0xe9: {  	[hbm4b:s5+s3] =	stream.indirect_vreg.scatter [tilespmem:s23], [sflag:$0x4], $0x80, v3, vm0, $0xb8;
	[tilespmem:$0x18280] =	vst v63  }
0xea: {  	v3 =	vld [tilespmem:$0x1B0];
	_ =	sdelay $0x4  }
0xeb: {  	v63 =	vshrl.u32 v3, $0x3  }
0xec: {  	v4 =	vmul.u32 $0x30, v63  }
0xed: {  	v3 =	vand.u32 $0x7, v3  }
0xee: {  	v3 =	vor.u32 v3, v4  }
0xef: {  	v4 =	vperm.xlane v3, v0;
	_ =	sdelay $0x1  }
0xf0: {  	v4 =	vadd.s32 v1, v4;
	_ =	sdelay $0x3  }
0xf1: {  	v3 =	vperm.xlane v3, v2  }
0xf2: {  	[hbm4b:s2+s3] =	stream.indirect_vreg.scatter [tilespmem:s24], [sflag:$0x4], $0x80, v4, vm0, $0xb8;
	[tilespmem:$0x18280] =	vst v63  }
0xf3: {  	v3 =	vadd.s32 v1, v3  }
0xf4: {  	[hbm4b:s4+s3] =	stream.indirect_vreg.scatter [tilespmem:s25], [sflag:$0x4], $0x80, v4, vm0, $0xb8;
	[tilespmem:$0x18280] =	vst v63  }
0xf5: {  	_ = 	snop  }
0xf6: {  	[hbm4b:s5+s3] =	stream.indirect_vreg.scatter [tilespmem:s26], [sflag:$0x4], $0x80, v4, vm0, $0xb8;
	[tilespmem:$0x18280] =	vst v63  }
0xf7: {  	_ = 	snop  }
0xf8: {  	[hbm4b:s2+s3] =	stream.indirect_vreg.scatter [tilespmem:s28], [sflag:$0x4], $0x80, v3, vm0, $0xb8;
	[tilespmem:$0x18280] =	vst v63  }
0xf9: {  	_ = 	snop  }
0xfa: {  	[hbm4b:s4+s3] =	stream.indirect_vreg.scatter [tilespmem:s29], [sflag:$0x4], $0x80, v3, vm0, $0xb8;
	[tilespmem:$0x18280] =	vst v63  }
0xfb: {  	_ = 	snop  }
0xfc: {  	[hbm4b:s5+s3] =	stream.indirect_vreg.scatter [tilespmem:s30], [sflag:$0x4], $0x80, v3, vm0, $0xb8;
	[tilespmem:$0x18280] =	vst v63  }
0xfd: {  	s15 =	rddreg [dreg:$0x9]  }
0xfe: {  	[hbm4b:s15+s3] =	stream.linear.scatter [tilespmem:s31], [sflag:$0x5], $0x40, $0x38;
	[tilespmem:$0x18280] =	vst v63  }
0xff: {  	_ =	swait.ge [sflag:s10], $0x40  }
0x100: {  	[sflag:s10] =	ssyncset.done $0x0  }
0x101: {  	s16 =	rddreg [dreg:$0xa];
	[sflag:s10] =	ssyncadd.s32 $0xFFFFFFC0  }
0x102: {  	[hbm4b:s16+s3] =	stream.linear.scatter [tilespmem:s1], [sflag:$0x5], $0x40, $0x38;
	[tilespmem:$0x18280] =	vst v63  }
0x103: {  	_ =	swait.ge [sflag:s10], $0x40  }
0x104: {  	[sflag:s10] =	ssyncset.done $0x0  }
0x105: {  	[sflag:s10] =	ssyncadd.s32 $0xFFFFFFC0  }
0x106: {  	p0 =	sne.s32 s6, $0x1;
	_ =	swait.ge [sflag:s11], $0xC000  }
.Ltmp0:
0x107: {  	[sflag:s11] =	ssyncset.done $0x0;
	(pc) =	sbr.rel @p0 .LBB2_1-.Ltmp0, $4  }
0x108: {  	[sflag:s11] =	ssyncadd.s32 $0xFFFF4000  }
0x109: {  	_ =	swait.ge [sflag:s12], $0xC000  }
0x10a: {  	[sflag:s12] =	ssyncset.done $0x0  }
0x10b: {  	s6 =	sadd.s32 $0xFFFFFFFF, s6;
	[sflag:s12] =	ssyncadd.s32 $0xFFFF4000  }
0x10c: {  	_ =	sfence.sel $0x180000  }
0x10d: {  	[bflag:$0x0] =	sbarrier.arrive $0xFFFF  }
0x10e: {  	_ =	strace $0x90000047  }
0x10f: {  	s0 =	stileid.u32;
	[bflag:$0x2] =	sbarrier.arrive $0xFFFF  }
0x110: {  	p0 =	sne.s32 s0, $0x0;
	s0 =	rddreg [dreg:$0x3]  }
0x111: {  	s0 =	sadd.s32 @!p0 $0x100000, s0  }
0x112: {  	[sflag:s0] =	ssyncadd.tile.s32 @!p0 $0x1;
	_ =	shalt  }
.Lfunc_end2:
_tile_overlayer_lowered:
.L_overlay_start_2:
0x113: {  	(tag) =	ssettag $0x2  }
0x114: {  	s0 =	rddreg [dreg:$0x0];
	s2 =	stileid.u32  }
0x115: {  	s1 =	rddreg [dreg:$0x1];
	p0 =	sne.s32 s2, $0x0  }
0x116: {  	s3 =	rddreg [dreg:$0x2];
	[bflag:$0x3] =	sbarrier.arrive $0xFFFF;
	s2 =	simm.s32 @!p0 $0x1C05  }
0x117: {  	[timem:s3], [sflag:s2] =	dma.local @!p0 [hbm:s0], s1  }
0x118: {  	s0 =	simm.s32 @!p0 $0x5  }
0x119: {  	_ =	swait.ge @!p0 [sflag:s0], s1  }
0x11a: {  	s1 =	ssub.s32 @!p0 $0x0, s1;
	[sflag:s0] =	ssyncset.done @!p0 $0x0  }
0x11b: {  	[sflag:s0] =	ssyncadd.s32 @!p0 s1  }
0x11c: {  	[bflag:$0x3] =	sbarrier.arrive $0xFFFF  }
0x11d: {  	_ =	shalt  }

// kernel: kernel.9.cloned.1.call-start
scs
__scs_entry_jumppad:
0x0: {  	(pc) =	sbr.rel $0x88, $3  }
0x1: {  	(tag) =	ssettag $0x0;
	lr =	simm.s32 $0x1  }
0x2: {  	[smem:$0x3F9B] =	sst lr;
	_ =	strace $0xD0000000  }
0x3: {  	_ = 	snop  }
0x4: {  	_ = 	snop  }
0x5: {  	_ = 	snop  }
0x6: {  	_ = 	snop  }
0x7: {  	_ = 	snop  }
__scs_overlays_trampoline_lowered:
0x8: {  	[smem:$0x3FAA] =	sst s0  }
0x9: {  	[smem:$0x3FAB] =	sst s1  }
0xa: {  	[smem:$0x3FAC] =	sst s2  }
0xb: {  	[smem:$0x3FAD] =	sst s3  }
0xc: {  	[smem:$0x3FAE] =	sst s4  }
0xd: {  	[smem:$0x3FAF] =	sst s5  }
0xe: {  	[smem:$0x3FB0] =	sst s6  }
0xf: {  	[smem:$0x3FB1] =	sst s7  }
0x10: {  	[smem:$0x3FB2] =	sst s8  }
0x11: {  	[smem:$0x3FB3] =	sst s9;
	s0 =	simm.s32 @!p0 $0x0  }
0x12: {  	s1 =	sld [smem:$0x3F99];
	s0 =	simm.s32 @p0 $0x1  }
0x13: {  	[smem:$0x3FB4] =	sst s0;
	s0 =	simm.s32 @!p1 $0x0  }
0x14: {  	s2 =	sld [smem:$0x3F98];
	s0 =	simm.s32 @p1 $0x1  }
0x15: {  	[smem:$0x3FB5] =	sst s0;
	s0 =	simm.s32 @!p2 $0x0  }
0x16: {  	s3 =	sld [smem:$0x3FDB];
	s0 =	simm.s32 @p2 $0x1  }
0x17: {  	s4 =	simm.s32 $0x1BF5;
	[smem:$0x3FB7] =	sst s0  }
0x18: {  	s0 =	sld [smem:$0x3F9A];
	_ =	swait.ge [sflag:s4], $0x0  }
0x19: {  	s7 =	sld [smem:$0x3F9B]  }
0x1a: {  	s8 =	sadd.s32 $0xFFFFE003, lr  }
0x1b: {  	s9 =	sadd.s32 $0xFFFFFEF7, lr;
	s5 =	simm.s32 $0xFFFFFFFF;
	p2 =	slt.u32 s8, $0xFFFFF086  }
0x1c: {  	p1 =	slt.u32 s9, $0xF7A;
	s5 =	simm.s32 @!p2 $0x0  }
0x1d: {  	s5 =	simm.s32 @p1 $0x1;
	p0 =	seq.s32 s7, s2  }
0x1e: {  	s7 =	smul.u32 @!p0 $0xF7A, s2;
	p2 =	seq.s32 @!p0 s5, $0x0  }
0x1f: {  	s9 =	smul.u32 $0xF7A, s1;
	s8 =	simm.s32 @!p0 $0x1BF5;
	p2 =	por !p2, p0  }
0x20: {  	[sflag:s8] =	ssyncset.s32 @!p0 $0xFFFFF086;
	s6 =	sadd.s32 @!p0 s3, s7;
	s7 =	simm.s32 @!p0 $0x108  }
0x21: {  	s3 =	sadd.s32 s3, s9;
	s6 =	sadd.s32 @!p0 $0x88, s6;
	s7 =	simm.s32 @p2 $0x1082  }
0x22: {  	[simem:s7], [sflag:s8] =	dma.local @!p0 [hbm:s6], $0xF7A  }
0x23: {  	s9 =	sor.u32 $0xD0000000, s2;
	s6 =	simm.s32 $0x108;
	_ =	swait.ge @!p0 [sflag:s8], $0x0  }
0x24: {  	s3 =	sadd.s32 $0x88, s3;
	s6 =	simm.s32 @!p1 $0x1082;
	[sflag:s4] =	ssyncset.s32 $0xFFFFF086  }
0x25: {  	[simem:s6], [sflag:s4] =	dma.local [hbm:s3], $0xF7A  }
0x26: {  	[smem:$0x3F9B] =	sst s1;
	(tag) =	ssettag s2;
	_ =	strace s9  }
0x27: {  	s1 =	sld [smem:$0x3FAB]  }
0x28: {  	s2 =	sld [smem:$0x3FAC]  }
0x29: {  	s4 =	sld [smem:$0x3FAE]  }
0x2a: {  	p0 =	seq.s32 s5, $0x0;
	s5 =	sld [smem:$0x3FAF]  }
0x2b: {  	s6 =	sld [smem:$0x3FB0]  }
0x2c: {  	s7 =	sld [smem:$0x3FB1]  }
0x2d: {  	s3 =	simm.s32 $0x108;
	s8 =	sld [smem:$0x3FB2]  }
0x2e: {  	s3 =	simm.s32 @!p0 $0x1082;
	s9 =	sld [smem:$0x3FB3]  }
0x2f: {  	lr =	sadd.s32 s0, s3;
	s0 =	sld [smem:$0x3FAA]  }
0x30: {  	s3 =	sld [smem:$0x3FAD]  }
0x31: {  	[smem:$0x3FB6] =	sst s10  }
0x32: {  	s10 =	sld [smem:$0x3FB4];
	_ =	sdelay $0x3  }
0x33: {  	p0 =	seq.s32 s10, $0x1;
	s10 =	sld [smem:$0x3FB6];
	_ =	sdelay $0x3  }
0x34: {  	[smem:$0x3FB6] =	sst s10  }
0x35: {  	s10 =	sld [smem:$0x3FB5];
	_ =	sdelay $0x3  }
0x36: {  	p1 =	seq.s32 s10, $0x1;
	s10 =	sld [smem:$0x3FB6];
	_ =	sdelay $0x3  }
0x37: {  	[smem:$0x3FB6] =	sst s10  }
0x38: {  	s10 =	sld [smem:$0x3FB7]  }
0x39: {  	_ = 	snop;
	(pc) =	sbr.ind lr, $3  }
0x3a: {  	_ = 	snop  }
0x3b: {  	_ = 	snop  }
0x3c: {  	p2 =	seq.s32 s10, $0x1;
	s10 =	sld [smem:$0x3FB6]  }
0x3d: {  	_ =	shalt  }
0x3e: {  	_ =	shalt  }
0x3f: {  	_ =	shalt  }
0x40: {  	_ =	shalt  }
0x41: {  	_ =	shalt  }
0x42: {  	_ =	shalt  }
0x43: {  	_ =	shalt  }
0x44: {  	_ =	shalt  }
0x45: {  	_ =	shalt  }
0x46: {  	_ =	shalt  }
0x47: {  	_ =	shalt  }
0x48: {  	_ =	shalt  }
0x49: {  	_ =	shalt  }
0x4a: {  	_ =	shalt  }
0x4b: {  	_ =	shalt  }
0x4c: {  	_ =	shalt  }
0x4d: {  	_ =	shalt  }
0x4e: {  	_ =	shalt  }
0x4f: {  	_ =	shalt  }
0x50: {  	_ =	shalt  }
0x51: {  	_ =	shalt  }
0x52: {  	_ =	shalt  }
0x53: {  	_ =	shalt  }
0x54: {  	_ =	shalt  }
0x55: {  	_ =	shalt  }
0x56: {  	_ =	shalt  }
0x57: {  	_ =	shalt  }
0x58: {  	_ =	shalt  }
0x59: {  	_ =	shalt  }
0x5a: {  	_ =	shalt  }
0x5b: {  	_ =	shalt  }
0x5c: {  	_ =	shalt  }
0x5d: {  	_ =	shalt  }
0x5e: {  	_ =	shalt  }
0x5f: {  	_ =	shalt  }
0x60: {  	_ =	shalt  }
0x61: {  	_ =	shalt  }
0x62: {  	_ =	shalt  }
0x63: {  	_ =	shalt  }
0x64: {  	_ =	shalt  }
0x65: {  	_ =	shalt  }
0x66: {  	_ =	shalt  }
0x67: {  	_ =	shalt  }
0x68: {  	_ =	shalt  }
0x69: {  	_ =	shalt  }
0x6a: {  	_ =	shalt  }
0x6b: {  	_ =	shalt  }
0x6c: {  	_ =	shalt  }
0x6d: {  	_ =	shalt  }
0x6e: {  	_ =	shalt  }
0x6f: {  	_ =	shalt  }
0x70: {  	_ =	shalt  }
0x71: {  	_ =	shalt  }
0x72: {  	_ =	shalt  }
0x73: {  	_ =	shalt  }
0x74: {  	_ =	shalt  }
0x75: {  	_ =	shalt  }
0x76: {  	_ =	shalt  }
0x77: {  	_ =	shalt  }
0x78: {  	_ =	shalt  }
0x79: {  	_ =	shalt  }
0x7a: {  	_ =	shalt  }
0x7b: {  	_ =	shalt  }
0x7c: {  	_ =	shalt  }
0x7d: {  	_ =	shalt  }
0x7e: {  	_ =	shalt  }
0x7f: {  	_ =	shalt  }
0x80: {  	_ =	shalt  }
0x81: {  	_ =	shalt  }
0x82: {  	_ =	shalt  }
0x83: {  	_ =	shalt  }
0x84: {  	_ =	shalt  }
0x85: {  	_ =	shalt  }
0x86: {  	_ =	shalt  }
0x87: {  	_ =	shalt  }
.Lfunc_end0:
.L_simem_size_0:
called_computation.1_lowered:
.L_overlay_start_0:
0x88: {  	s2 =	sld [smem:$0x3FD9]  }
0x89: {  	s3 =	sld [smem:$0x3FFE];
	_ =	sdelay $0x1  }
0x8a: {  	s1 =	srdreg.scid  }
0x8b: {  	s0 =	sand.u32 $0x1, s1  }
0x8c: {  	s14 =	sshll.u32 s0, $0xA;
	s2 =	sadd.s32 s3, s2  }
0x8d: {  	s2 =	sadd.s32 s2, s14  }
0x8e: {  	[smem:$0x3FC2] =	sst s2  }
0x8f: {  	_ = 	snop  }
0x90: {  	s2 =	sld [smem:$0x3FD0];
	_ =	sdelay $0x2  }
0x91: {  	s15 =	simm.s32 $0xA;
	s4 =	simm.s32 $0x10  }
0x92: {  	[smem:s4], [sflag:s15] =	dma.local [hbm:s2], $0x1  }
0x93: {  	_ =	swait.eq [sflag:s15], $0x1  }
0x94: {  	[sflag:s15] =	ssyncset.done $0x0  }
0x95: {  	[sflag:s15] =	ssyncadd.s32 $0xFFFFFFFF  }
0x96: {  	s16 =	sld [smem:$0x10];
	(tm) =	ssettm $0x1  }
0x97: {  	s17 =	sld [smem:$0x3FFB];
	_ =	sdelay $0x3  }
0x98: {  	_ =	strace s17  }
0x99: {  	s3 =	sld [smem:$0x3FFC];
	_ =	sdelay $0x3  }
0x9a: {  	_ =	strace s3  }
0x9b: {  	s3 =	sld [smem:$0x3FFD];
	_ =	sdelay $0x3  }
0x9c: {  	_ =	strace s3  }
0x9d: {  	_ =	strace $0x8FFFFFFF  }
0x9e: {  	s18 =	sld [smem:$0x3FDB];
	_ =	sdelay $0x1  }
0x9f: {  	s19 =	simm.s32 $_scs_section_size  }
0xa0: {  	s5 =	simm.s32 $_size__tile_overlayer_lowered;
	s6 =	simm.s32 $_tile_overlayer_lowered  }
0xa1: {  	s22 =	simm.s32 $0x1BFF;
	s21 =	sshll.u32 s6, $0x1;
	s3 =	sadd.s32 s19, s18  }
0xa2: {  	s7 =	simm.s32 $0x0;
	s20 =	sshll.u32 s5, $0x1;
	s5 =	sadd.s32 s21, s3  }
0xa3: {  	[timem:s7], [sflag:s22] =	dma.local [hbm:s5], s20  }
0xa4: {  	_ =	swait.ge [sflag:s22], s20  }
0xa5: {  	s4 =	ssub.s32 $0x0, s20;
	[sflag:s22] =	ssyncset.done $0x0  }
0xa6: {  	[sflag:s22] =	ssyncadd.s32 s4;
	_ =	sdelay $0x1  }
0xa7: {  	s23 =	simm.s32 $0x1B8B  }
0xa8: {  	_ =	swait.ge [sflag:s23], $0x1  }
0xa9: {  	[sflag:s23] =	ssyncset.done $0x0  }
0xaa: {  	s25 =	simm.s32 $0x1B8E;
	s24 =	sld [smem:$0x3FFE];
	[sflag:s23] =	ssyncadd.s32 $0xFFFFFFFF  }
0xab: {  	s26 =	simm.s32 $execute0_lowered;
	[smem:$0x3FD2] =	sst s25  }
0xac: {  	s5 =	sshll.u32 s26, $0x1;
	_ =	strace $0x80000049;
	[dreg:$0x1] =	wrdreg $0xFFFFFFFF  }
0xad: {  	s28 =	simm.s32 $_size_execute0_lowered;
	s3 =	sadd.s32 s3, s5;
	[dreg:$0x0] =	wrdreg $0x0  }
0xae: {  	s5 =	sshll.u32 s28, $0x1;
	[dreg:$0x2] =	wrdreg s3  }
0xaf: {  	[dreg:$0x3] =	wrdreg s5  }
0xb0: {  	[dreg:$0x4] =	wrdreg $0xC0  }
0xb1: {  	_ =	task [dreg:s7], $0x5FFFF  }
0xb2: {  	[dreg:$0x1] =	wrdreg $0xFFFFFFFF  }
0xb3: {  	[dreg:$0x0] =	wrdreg $0x60  }
0xb4: {  	[dreg:$0x2] =	wrdreg s24  }
0xb5: {  	[dreg:$0x3] =	wrdreg s16  }
0xb6: {  	[dreg:$0x4] =	wrdreg $0x9  }
0xb7: {  	_ =	task.clear_ibuf [dreg:s7], $0x5FFFF;
	_ =	strace $0x90000049  }
0xb8: {  	s29 =	simm.s32 $0x9;
	_ =	strace $0x8000004B  }
0xb9: {  	_ =	swait.ge [sflag:s29], $0x1  }
0xba: {  	[sflag:s29] =	ssyncadd.s32 $0xFFFFFFFF  }
0xbb: {  	_ =	strace $0x9000004B  }
0xbc: {  	_ =	sfence  }
0xbd: {  	s30 =	sld [smem:$0x0];
	_ =	sdelay $0x2  }
0xbe: {  	s31 =	sshll.u32 s1, $0xD;
	s1 =	sshrl.u32 s1, $0x2  }
0xbf: {  	s3 =	sand.u32 $0x4000, s31;
	s1 =	sadd.s32 s1, s30  }
0xc0: {  	s0 =	sor.u32 s3, s0;
	s1 =	sshll.u32 s1, $0x11  }
0xc1: {  	s0 =	sor.u32 s1, s0  }
0xc2: {  	s0 =	sadd.s32 $0x8F2B, s0  }
0xc3: {  	[sflag:s0] =	ssyncadd.remote.s32 $0x1  }
0xc4: {  	_ =	sfence.sel $0xFFFF  }
0xc5: {  	[dreg:$0x0] =	wrdreg $0xFFFFFFFF;
	(pc) =	sbr.abs _section_cstart, $3  }
0xc6: {  	[dreg:$0x1] =	wrdreg $0xFFFFFFFF  }
0xc7: {  	_ =	task.clear_ibuf [dreg:s7], $0x2FFFF;
	_ =	strace $0x9FFFFFFF  }
0xc8: {  	(tm) =	ssettm $0x7FFFFFFF  }
0xc9: {  	_ =	shalt  }
tec
execute0_lowered:
.L_overlay_start_1:
0x0: {  	(tag) =	ssettag $0x1  }
0x1: {  	s0 =	rddreg [dreg:$0x0]  }
0x2: {  	s3 =	rddreg [dreg:$0x1];
	s2 =	simm.s32 $0x0  }
0x3: {  	s22 =	simm.s32 $0x80;
	[smem:$0x7FF] =	sst s2  }
0x4: {  	s23 =	simm.s32 $0x900;
	_ =	strace $0x8000004A;
	[dreg:$0x7] =	wrdreg s22  }
0x5: {  	s24 =	simm.s32 $0x1100;
	[dreg:$0x8] =	wrdreg s23  }
0x6: {  	s25 =	simm.s32 $0x1900;
	[dreg:$0x9] =	wrdreg s24  }
0x7: {  	s1 =	stileid.u32;
	s26 =	simm.s32 $0x2100;
	[dreg:$0xa] =	wrdreg s25  }
0x8: {  	s5 =	sshll.u32 s1, $0x5;
	s1 =	simm.s32 $0x2900;
	[dreg:$0xb] =	wrdreg s26  }
0x9: {  	s9 =	simm.s32 $0x5100;
	[dreg:$0xc] =	wrdreg s1  }
0xa: {  	s4 =	srdreg.scid;
	s10 =	simm.s32 $0x5900;
	[dreg:$0x11] =	wrdreg s9  }
0xb: {  	s11 =	simm.s32 $0x6100;
	s12 =	simm.s32 $0x6900;
	[dreg:$0x12] =	wrdreg s10  }
0xc: {  	s13 =	simm.s32 $0x7100;
	s14 =	simm.s32 $0x7900;
	[dreg:$0x13] =	wrdreg s11  }
0xd: {  	s15 =	simm.s32 $0x8100;
	s16 =	simm.s32 $0x8900;
	[dreg:$0x14] =	wrdreg s12  }
0xe: {  	s17 =	simm.s32 $0x9100;
	s18 =	simm.s32 $0x9900;
	[dreg:$0x15] =	wrdreg s13  }
0xf: {  	s28 =	simm.s32 $0x16100;
	s29 =	simm.s32 $0x16900;
	[dreg:$0x16] =	wrdreg s14  }
0x10: {  	s30 =	simm.s32 $0x17100;
	s31 =	simm.s32 $0x17900;
	[dreg:$0x17] =	wrdreg s15  }
0x11: {  	s4 =	sand.u32 $0x1, s4;
	s7 =	sadd.s32 $0x1E00, s0;
	[dreg:$0x18] =	wrdreg s16  }
0x12: {  	s6 =	sshll.u32 s4, $0x4;
	s4 =	ssub.s32 $0x2, s4;
	[dreg:$0x19] =	wrdreg s17  }
0x13: {  	[dreg:$0x1a] =	wrdreg s18;
	s22 =	simm.s32 $0xB100;
	s23 =	simm.s32 $0xB900  }
0x14: {  	s24 =	simm.s32 $0xC900;
	s25 =	simm.s32 $0xD100;
	s26 =	simm.s32 $0xD900  }
0x15: {  	s9 =	simm.s32 $0x2;
	s10 =	simm.s32 $0xC100;
	[dreg:$0x1d] =	wrdreg s22  }
0x16: {  	s13 =	simm.s32 $0xF100;
	s14 =	simm.s32 $0xF900;
	[dreg:$0x1e] =	wrdreg s23  }
0x17: {  	s15 =	simm.s32 $0x10100;
	s16 =	simm.s32 $0x10900;
	[dreg:$0x1f] =	wrdreg s24  }
0x18: {  	s17 =	simm.s32 $0x11100;
	s18 =	simm.s32 $0x11900;
	[smem:$0x7FC] =	sst s25  }
0x19: {  	s5 =	sor.u32 s6, s5;
	s19 =	sshrl.u32 s4, $0x1;
	[smem:$0x7FD] =	sst s26  }
0x1a: {  	s22 =	simm.s32 $0x13900;
	s23 =	simm.s32 $0x14100;
	s24 =	simm.s32 $0x14900  }
0x1b: {  	s25 =	simm.s32 $0x15100;
	s6 =	sadd.s32 s7, s5;
	s8 =	sor.u32 $0x8, s5  }
0x1c: {  	s26 =	simm.s32 $0x15900;
	[dreg:$0x3] =	wrdreg s6;
	s20 =	sadd.s32 s7, s8  }
0x1d: {  	s5 =	smul.u32 $0x300, s5;
	s6 =	simm.s32 $0x3900;
	[dreg:$0x4] =	wrdreg s20  }
0x1e: {  	s21 =	smul.u32 $0x300, s8;
	s7 =	simm.s32 $0x4100;
	[dreg:$0xe] =	wrdreg s6  }
0x1f: {  	s8 =	simm.s32 $0x4900;
	s5 =	sadd.s32 s3, s5;
	[dreg:$0xf] =	wrdreg s7  }
0x20: {  	[dreg:$0x10] =	wrdreg s8;
	s20 =	simm.s32 $0xA100;
	s6 =	ssub.s32 s4, s19  }
0x21: {  	s4 =	sadd.s32 $0x2100, s0;
	s7 =	simm.s32 $0x1;
	[dreg:$0x5] =	wrdreg s5  }
0x22: {  	s8 =	simm.s32 $0x100;
	s3 =	sadd.s32 s3, s21;
	[dreg:$0x1b] =	wrdreg s20  }
0x23: {  	s19 =	simm.s32 $0x12100;
	s5 =	simm.s32 $0x3100;
	[dreg:$0x6] =	wrdreg s3  }
0x24: {  	v2 =	vlaneseq.u32;
	s21 =	simm.s32 $0xA900;
	s6 =	smax.u32 s6, $0x1;
	[dreg:$0xd] =	wrdreg s5  }
0x25: {  	vm0 =	vmmov $0xffff;
	v1 =	vshrl.u32 v2, $0x3;
	s20 =	simm.s32 $0x12900;
	s3 =	sadd.s32 $0x2000, s0;
	[dreg:$0x1c] =	wrdreg s21  }
0x26: {  	v0 =	vand.u32 $0x7, v2;
	v2 =	vor.u32 $0x8, v2;
	v1 =	vmul.u32 $0x8, v1;
	s5 =	sadd.s32 $0x2200, s0;
	s21 =	simm.s32 $0x13100;
	s0 =	simm.s32 $0x3  }
.LBB2_1:
0x27: {  	s1 =	rddreg [dreg:$0x3]  }
0x28: {  	s11 =	rddreg [dreg:$0x4]  }
0x29: {  	[tilespmem:s2], [sflag:$0x1] =	stream.linear.gather [hbm4b:s1+s2], $0x40, $0x38;
	[tilespmem:$0x18100] =	vst v63  }
0x2a: {  	s12 =	rddreg [dreg:$0x7]  }
0x2b: {  	[tilespmem:s12], [sflag:$0x2] =	stream.linear.gather [hbm4b:s11+s2], $0x40, $0x38;
	[tilespmem:$0x18100] =	vst v63  }
0x2c: {  	_ =	swait.ge [sflag:s7], $0x40  }
0x2d: {  	[sflag:s7] =	ssyncset.done $0x0  }
0x2e: {  	[sflag:s7] =	ssyncadd.s32 $0xFFFFFFC0  }
0x2f: {  	v3 =	vld [tilespmem:$0x0];
	_ =	sdelay $0x4  }
0x30: {  	v4 =	vshrl.u32 v3, $0x3  }
0x31: {  	v4 =	vmul.u32 $0x30, v4  }
0x32: {  	v3 =	vand.u32 $0x7, v3  }
0x33: {  	v3 =	vor.u32 v3, v4  }
0x34: {  	v4 =	vperm.xlane v3, v0;
	_ =	sdelay $0x1  }
0x35: {  	v4 =	vadd.s32 v1, v4;
	_ =	sdelay $0x3  }
0x36: {  	v3 =	vperm.xlane v3, v2  }
0x37: {  	[tilespmem:s8], [sflag:$0x1] =	stream.indirect_vreg.gather [hbm4b:s3+s2], $0x80, v4, vm0, $0xb8;
	[tilespmem:$0x18100] =	vst v63  }
0x38: {  	s12 =	rddreg [dreg:$0x8];
	v3 =	vadd.s32 v1, v3  }
0x39: {  	[tilespmem:s12], [sflag:$0x1] =	stream.indirect_vreg.gather [hbm4b:s4+s2], $0x80, v4, vm0, $0xb8;
	[tilespmem:$0x18100] =	vst v63  }
0x3a: {  	s11 =	rddreg [dreg:$0x9]  }
0x3b: {  	[tilespmem:s11], [sflag:$0x1] =	stream.indirect_vreg.gather [hbm4b:s5+s2], $0x80, v4, vm0, $0xb8;
	[tilespmem:$0x18100] =	vst v63  }
0x3c: {  	s12 =	rddreg [dreg:$0xa]  }
0x3d: {  	[tilespmem:s12], [sflag:$0x1] =	stream.indirect_vreg.gather [hbm4b:s3+s2], $0x80, v3, vm0, $0xb8;
	[tilespmem:$0x18100] =	vst v63  }
0x3e: {  	s11 =	rddreg [dreg:$0xb]  }
0x3f: {  	[tilespmem:s11], [sflag:$0x1] =	stream.indirect_vreg.gather [hbm4b:s4+s2], $0x80, v3, vm0, $0xb8;
	[tilespmem:$0x18100] =	vst v63  }
0x40: {  	s12 =	rddreg [dreg:$0xc]  }
0x41: {  	[tilespmem:s12], [sflag:$0x1] =	stream.indirect_vreg.gather [hbm4b:s5+s2], $0x80, v3, vm0, $0xb8;
	[tilespmem:$0x18100] =	vst v63  }
0x42: {  	v3 =	vld [tilespmem:$0x10];
	_ =	sdelay $0x4  }
0x43: {  	v57 =	vshrl.u32 v3, $0x3  }
0x44: {  	v4 =	vmul.u32 $0x30, v57  }
0x45: {  	v3 =	vand.u32 $0x7, v3  }
0x46: {  	v3 =	vor.u32 v3, v4  }
0x47: {  	v4 =	vperm.xlane v3, v0;
	_ =	sdelay $0x1  }
0x48: {  	v4 =	vadd.s32 v1, v4;
	_ =	sdelay $0x3  }
0x49: {  	s11 =	rddreg [dreg:$0xd];
	v3 =	vperm.xlane v3, v2  }
0x4a: {  	[tilespmem:s11], [sflag:$0x1] =	stream.indirect_vreg.gather [hbm4b:s3+s2], $0x80, v4, vm0, $0xb8;
	[tilespmem:$0x18100] =	vst v63  }
0x4b: {  	s12 =	rddreg [dreg:$0xe];
	v3 =	vadd.s32 v1, v3  }
0x4c: {  	[tilespmem:s12], [sflag:$0x1] =	stream.indirect_vreg.gather [hbm4b:s4+s2], $0x80, v4, vm0, $0xb8;
	[tilespmem:$0x18100] =	vst v63  }
0x4d: {  	s1 =	rddreg [dreg:$0xf]  }
0x4e: {  	[tilespmem:s1], [sflag:$0x1] =	stream.indirect_vreg.gather [hbm4b:s5+s2], $0x80, v4, vm0, $0xb8;
	[tilespmem:$0x18100] =	vst v63  }
0x4f: {  	s12 =	rddreg [dreg:$0x10]  }
0x50: {  	[tilespmem:s12], [sflag:$0x1] =	stream.indirect_vreg.gather [hbm4b:s3+s2], $0x80, v3, vm0, $0xb8;
	[tilespmem:$0x18100] =	vst v63  }
0x51: {  	s1 =	rddreg [dreg:$0x11]  }
0x52: {  	[tilespmem:s1], [sflag:$0x1] =	stream.indirect_vreg.gather [hbm4b:s4+s2], $0x80, v3, vm0, $0xb8;
	[tilespmem:$0x18100] =	vst v63  }
0x53: {  	s12 =	rddreg [dreg:$0x12]  }
0x54: {  	[tilespmem:s12], [sflag:$0x1] =	stream.indirect_vreg.gather [hbm4b:s5+s2], $0x80, v3, vm0, $0xb8;
	[tilespmem:$0x18100] =	vst v63  }
0x55: {  	v3 =	vld [tilespmem:$0x20];
	_ =	sdelay $0x4  }
0x56: {  	v58 =	vshrl.u32 v3, $0x3  }
0x57: {  	v4 =	vmul.u32 $0x30, v58  }
0x58: {  	v3 =	vand.u32 $0x7, v3  }
0x59: {  	v3 =	vor.u32 v3, v4  }
0x5a: {  	v4 =	vperm.xlane v3, v0;
	_ =	sdelay $0x1  }
0x5b: {  	v4 =	vadd.s32 v1, v4;
	_ =	sdelay $0x3  }
0x5c: {  	s11 =	rddreg [dreg:$0x13];
	v3 =	vperm.xlane v3, v2  }
0x5d: {  	[tilespmem:s11], [sflag:$0x1] =	stream.indirect_vreg.gather [hbm4b:s3+s2], $0x80, v4, vm0, $0xb8;
	[tilespmem:$0x18100] =	vst v63  }
0x5e: {  	s12 =	rddreg [dreg:$0x14];
	v3 =	vadd.s32 v1, v3  }
0x5f: {  	[tilespmem:s12], [sflag:$0x1] =	stream.indirect_vreg.gather [hbm4b:s4+s2], $0x80, v4, vm0, $0xb8;
	[tilespmem:$0x18100] =	vst v63  }
0x60: {  	s1 =	rddreg [dreg:$0x15]  }
0x61: {  	[tilespmem:s1], [sflag:$0x1] =	stream.indirect_vreg.gather [hbm4b:s5+s2], $0x80, v4, vm0, $0xb8;
	[tilespmem:$0x18100] =	vst v63  }
0x62: {  	s12 =	rddreg [dreg:$0x16]  }
0x63: {  	[tilespmem:s12], [sflag:$0x1] =	stream.indirect_vreg.gather [hbm4b:s3+s2], $0x80, v3, vm0, $0xb8;
	[tilespmem:$0x18100] =	vst v63  }
0x64: {  	s1 =	rddreg [dreg:$0x17]  }
0x65: {  	[tilespmem:s1], [sflag:$0x1] =	stream.indirect_vreg.gather [hbm4b:s4+s2], $0x80, v3, vm0, $0xb8;
	[tilespmem:$0x18100] =	vst v63  }
0x66: {  	s12 =	rddreg [dreg:$0x18]  }
0x67: {  	[tilespmem:s12], [sflag:$0x1] =	stream.indirect_vreg.gather [hbm4b:s5+s2], $0x80, v3, vm0, $0xb8;
	[tilespmem:$0x18100] =	vst v63  }
0x68: {  	v3 =	vld [tilespmem:$0x30];
	_ =	sdelay $0x4  }
0x69: {  	v59 =	vshrl.u32 v3, $0x3  }
0x6a: {  	v4 =	vmul.u32 $0x30, v59  }
0x6b: {  	v3 =	vand.u32 $0x7, v3  }
0x6c: {  	v3 =	vor.u32 v3, v4  }
0x6d: {  	v4 =	vperm.xlane v3, v0;
	_ =	sdelay $0x1  }
0x6e: {  	v4 =	vadd.s32 v1, v4;
	_ =	sdelay $0x3  }
0x6f: {  	s11 =	rddreg [dreg:$0x19];
	v3 =	vperm.xlane v3, v2  }
0x70: {  	[tilespmem:s11], [sflag:$0x1] =	stream.indirect_vreg.gather [hbm4b:s3+s2], $0x80, v4, vm0, $0xb8;
	[tilespmem:$0x18100] =	vst v63  }
0x71: {  	s12 =	rddreg [dreg:$0x1a];
	v3 =	vadd.s32 v1, v3  }
0x72: {  	[tilespmem:s12], [sflag:$0x1] =	stream.indirect_vreg.gather [hbm4b:s4+s2], $0x80, v4, vm0, $0xb8;
	[tilespmem:$0x18100] =	vst v63  }
0x73: {  	s1 =	rddreg [dreg:$0x1b]  }
0x74: {  	[tilespmem:s1], [sflag:$0x1] =	stream.indirect_vreg.gather [hbm4b:s5+s2], $0x80, v4, vm0, $0xb8;
	[tilespmem:$0x18100] =	vst v63  }
0x75: {  	s12 =	rddreg [dreg:$0x1c]  }
0x76: {  	[tilespmem:s12], [sflag:$0x1] =	stream.indirect_vreg.gather [hbm4b:s3+s2], $0x80, v3, vm0, $0xb8;
	[tilespmem:$0x18100] =	vst v63  }
0x77: {  	s1 =	rddreg [dreg:$0x1d]  }
0x78: {  	[tilespmem:s1], [sflag:$0x1] =	stream.indirect_vreg.gather [hbm4b:s4+s2], $0x80, v3, vm0, $0xb8;
	[tilespmem:$0x18100] =	vst v63  }
0x79: {  	s12 =	rddreg [dreg:$0x1e]  }
0x7a: {  	[tilespmem:s12], [sflag:$0x1] =	stream.indirect_vreg.gather [hbm4b:s5+s2], $0x80, v3, vm0, $0xb8;
	[tilespmem:$0x18100] =	vst v63  }
0x7b: {  	_ =	swait.ge [sflag:s9], $0x40  }
0x7c: {  	[sflag:s9] =	ssyncset.done $0x0  }
0x7d: {  	[sflag:s9] =	ssyncadd.s32 $0xFFFFFFC0  }
0x7e: {  	v3 =	vld [tilespmem:$0x80];
	_ =	sdelay $0x4  }
0x7f: {  	v60 =	vshrl.u32 v3, $0x3  }
0x80: {  	v4 =	vmul.u32 $0x30, v60  }
0x81: {  	v3 =	vand.u32 $0x7, v3  }
0x82: {  	v3 =	vor.u32 v3, v4  }
0x83: {  	v4 =	vperm.xlane v3, v0;
	_ =	sdelay $0x1  }
0x84: {  	v4 =	vadd.s32 v1, v4;
	_ =	sdelay $0x3  }
0x85: {  	s12 =	rddreg [dreg:$0x1f];
	v3 =	vperm.xlane v3, v2  }
0x86: {  	[tilespmem:s10], [sflag:$0x2] =	stream.indirect_vreg.gather [hbm4b:s3+s2], $0x80, v4, vm0, $0xb8;
	[tilespmem:$0x18100] =	vst v63  }
0x87: {  	s11 =	sld [smem:$0x7FC];
	v3 =	vadd.s32 v1, v3  }
0x88: {  	[tilespmem:s12], [sflag:$0x2] =	stream.indirect_vreg.gather [hbm4b:s4+s2], $0x80, v4, vm0, $0xb8;
	[tilespmem:$0x18100] =	vst v63  }
0x89: {  	s12 =	sld [smem:$0x7FD]  }
0x8a: {  	[tilespmem:s11], [sflag:$0x2] =	stream.indirect_vreg.gather [hbm4b:s5+s2], $0x80, v4, vm0, $0xb8;
	[tilespmem:$0x18100] =	vst v63  }
0x8b: {  	_ = 	snop  }
0x8c: {  	[tilespmem:s12], [sflag:$0x2] =	stream.indirect_vreg.gather [hbm4b:s3+s2], $0x80, v3, vm0, $0xb8;
	[tilespmem:$0x18100] =	vst v63  }
0x8d: {  	s11 =	simm.s32 $0xE100  }
0x8e: {  	[tilespmem:s11], [sflag:$0x2] =	stream.indirect_vreg.gather [hbm4b:s4+s2], $0x80, v3, vm0, $0xb8;
	[tilespmem:$0x18100] =	vst v63  }
0x8f: {  	s12 =	simm.s32 $0xE900  }
0x90: {  	[tilespmem:s12], [sflag:$0x2] =	stream.indirect_vreg.gather [hbm4b:s5+s2], $0x80, v3, vm0, $0xb8;
	[tilespmem:$0x18100] =	vst v63  }
0x91: {  	v3 =	vld [tilespmem:$0x90];
	_ =	sdelay $0x4  }
0x92: {  	v61 =	vshrl.u32 v3, $0x3  }
0x93: {  	v4 =	vmul.u32 $0x30, v61  }
0x94: {  	v3 =	vand.u32 $0x7, v3  }
0x95: {  	v3 =	vor.u32 v3, v4  }
0x96: {  	v4 =	vperm.xlane v3, v0;
	_ =	sdelay $0x1  }
0x97: {  	v4 =	vadd.s32 v1, v4;
	_ =	sdelay $0x3  }
0x98: {  	v3 =	vperm.xlane v3, v2  }
0x99: {  	[tilespmem:s13], [sflag:$0x2] =	stream.indirect_vreg.gather [hbm4b:s3+s2], $0x80, v4, vm0, $0xb8;
	[tilespmem:$0x18100] =	vst v63  }
0x9a: {  	v3 =	vadd.s32 v1, v3  }
0x9b: {  	[tilespmem:s14], [sflag:$0x2] =	stream.indirect_vreg.gather [hbm4b:s4+s2], $0x80, v4, vm0, $0xb8;
	[tilespmem:$0x18100] =	vst v63  }
0x9c: {  	_ = 	snop  }
0x9d: {  	[tilespmem:s15], [sflag:$0x2] =	stream.indirect_vreg.gather [hbm4b:s5+s2], $0x80, v4, vm0, $0xb8;
	[tilespmem:$0x18100] =	vst v63  }
0x9e: {  	_ = 	snop  }
0x9f: {  	[tilespmem:s16], [sflag:$0x2] =	stream.indirect_vreg.gather [hbm4b:s3+s2], $0x80, v3, vm0, $0xb8;
	[tilespmem:$0x18100] =	vst v63  }
0xa0: {  	_ = 	snop  }
0xa1: {  	[tilespmem:s17], [sflag:$0x2] =	stream.indirect_vreg.gather [hbm4b:s4+s2], $0x80, v3, vm0, $0xb8;
	[tilespmem:$0x18100] =	vst v63  }
0xa2: {  	_ = 	snop  }
0xa3: {  	[tilespmem:s18], [sflag:$0x2] =	stream.indirect_vreg.gather [hbm4b:s5+s2], $0x80, v3, vm0, $0xb8;
	[tilespmem:$0x18100] =	vst v63  }
0xa4: {  	v3 =	vld [tilespmem:$0xA0];
	_ =	sdelay $0x4  }
0xa5: {  	v62 =	vshrl.u32 v3, $0x3  }
0xa6: {  	v4 =	vmul.u32 $0x30, v62  }
0xa7: {  	v3 =	vand.u32 $0x7, v3  }
0xa8: {  	v3 =	vor.u32 v3, v4  }
0xa9: {  	v4 =	vperm.xlane v3, v0;
	_ =	sdelay $0x1  }
0xaa: {  	v4 =	vadd.s32 v1, v4;
	_ =	sdelay $0x3  }
0xab: {  	v3 =	vperm.xlane v3, v2  }
0xac: {  	[tilespmem:s19], [sflag:$0x2] =	stream.indirect_vreg.gather [hbm4b:s3+s2], $0x80, v4, vm0, $0xb8;
	[tilespmem:$0x18100] =	vst v63  }
0xad: {  	v3 =	vadd.s32 v1, v3  }
0xae: {  	[tilespmem:s20], [sflag:$0x2] =	stream.indirect_vreg.gather [hbm4b:s4+s2], $0x80, v4, vm0, $0xb8;
	[tilespmem:$0x18100] =	vst v63  }
0xaf: {  	_ = 	snop  }
0xb0: {  	[tilespmem:s21], [sflag:$0x2] =	stream.indirect_vreg.gather [hbm4b:s5+s2], $0x80, v4, vm0, $0xb8;
	[tilespmem:$0x18100] =	vst v63  }
0xb1: {  	_ = 	snop  }
0xb2: {  	[tilespmem:s22], [sflag:$0x2] =	stream.indirect_vreg.gather [hbm4b:s3+s2], $0x80, v3, vm0, $0xb8;
	[tilespmem:$0x18100] =	vst v63  }
0xb3: {  	_ = 	snop  }
0xb4: {  	[tilespmem:s23], [sflag:$0x2] =	stream.indirect_vreg.gather [hbm4b:s4+s2], $0x80, v3, vm0, $0xb8;
	[tilespmem:$0x18100] =	vst v63  }
0xb5: {  	_ = 	snop  }
0xb6: {  	[tilespmem:s24], [sflag:$0x2] =	stream.indirect_vreg.gather [hbm4b:s5+s2], $0x80, v3, vm0, $0xb8;
	[tilespmem:$0x18100] =	vst v63  }
0xb7: {  	v3 =	vld [tilespmem:$0xB0];
	_ =	sdelay $0x4  }
0xb8: {  	v63 =	vshrl.u32 v3, $0x3  }
0xb9: {  	v4 =	vmul.u32 $0x30, v63  }
0xba: {  	v3 =	vand.u32 $0x7, v3  }
0xbb: {  	v3 =	vor.u32 v3, v4  }
0xbc: {  	v4 =	vperm.xlane v3, v0;
	_ =	sdelay $0x1  }
0xbd: {  	v4 =	vadd.s32 v1, v4;
	_ =	sdelay $0x3  }
0xbe: {  	v3 =	vperm.xlane v3, v2  }
0xbf: {  	[tilespmem:s25], [sflag:$0x2] =	stream.indirect_vreg.gather [hbm4b:s3+s2], $0x80, v4, vm0, $0xb8;
	[tilespmem:$0x18100] =	vst v63  }
0xc0: {  	v3 =	vadd.s32 v1, v3  }
0xc1: {  	[tilespmem:s26], [sflag:$0x2] =	stream.indirect_vreg.gather [hbm4b:s4+s2], $0x80, v4, vm0, $0xb8;
	[tilespmem:$0x18100] =	vst v63  }
0xc2: {  	_ = 	snop  }
0xc3: {  	[tilespmem:s28], [sflag:$0x2] =	stream.indirect_vreg.gather [hbm4b:s5+s2], $0x80, v4, vm0, $0xb8;
	[tilespmem:$0x18100] =	vst v63  }
0xc4: {  	_ = 	snop  }
0xc5: {  	[tilespmem:s29], [sflag:$0x2] =	stream.indirect_vreg.gather [hbm4b:s3+s2], $0x80, v3, vm0, $0xb8;
	[tilespmem:$0x18100] =	vst v63  }
0xc6: {  	_ = 	snop  }
0xc7: {  	[tilespmem:s30], [sflag:$0x2] =	stream.indirect_vreg.gather [hbm4b:s4+s2], $0x80, v3, vm0, $0xb8;
	[tilespmem:$0x18100] =	vst v63  }
0xc8: {  	_ = 	snop  }
0xc9: {  	[tilespmem:s31], [sflag:$0x2] =	stream.indirect_vreg.gather [hbm4b:s5+s2], $0x80, v3, vm0, $0xb8;
	[tilespmem:$0x18100] =	vst v63  }
0xca: {  	_ =	swait.ge [sflag:s7], $0xC000  }
0xcb: {  	[sflag:s7] =	ssyncset.done $0x0  }
0xcc: {  	s11 =	rddreg [dreg:$0x5];
	[sflag:s7] =	ssyncadd.s32 $0xFFFF4000  }
0xcd: {  	[hbm4b:s11+s2] =	stream.linear.scatter [tilespmem:s8], [sflag:$0x3], $0xC000, $0x38;
	[tilespmem:$0x18100] =	vst v63  }
0xce: {  	_ =	swait.ge [sflag:s0], $0xC000  }
0xcf: {  	[sflag:s0] =	ssyncset.done $0x0  }
0xd0: {  	[sflag:s0] =	ssyncadd.s32 $0xFFFF4000  }
0xd1: {  	_ =	swait.ge [sflag:s9], $0xC000  }
0xd2: {  	p0 =	sne.s32 s6, $0x1;
	[sflag:s9] =	ssyncset.done $0x0  }
.Ltmp0:
0xd3: {  	s12 =	rddreg [dreg:$0x6];
	[sflag:s9] =	ssyncadd.s32 $0xFFFF4000;
	(pc) =	sbr.rel @p0 .LBB2_1-.Ltmp0, $4  }
0xd4: {  	[hbm4b:s12+s2] =	stream.linear.scatter [tilespmem:s10], [sflag:$0x3], $0xC000, $0x38;
	[tilespmem:$0x18100] =	vst v63  }
0xd5: {  	_ =	swait.ge [sflag:s0], $0xC000  }
0xd6: {  	[sflag:s0] =	ssyncset.done $0x0  }
0xd7: {  	s6 =	sadd.s32 $0xFFFFFFFF, s6;
	[sflag:s0] =	ssyncadd.s32 $0xFFFF4000  }
0xd8: {  	_ =	sfence.sel $0x180000  }
0xd9: {  	[bflag:$0x0] =	sbarrier.arrive $0xFFFF  }
0xda: {  	_ =	strace $0x9000004A  }
0xdb: {  	s0 =	stileid.u32;
	[bflag:$0x2] =	sbarrier.arrive $0xFFFF  }
0xdc: {  	p0 =	sne.s32 s0, $0x0;
	s0 =	rddreg [dreg:$0x2]  }
0xdd: {  	s0 =	sadd.s32 @!p0 $0x100000, s0  }
0xde: {  	[sflag:s0] =	ssyncadd.tile.s32 @!p0 $0x1;
	_ =	shalt  }
.Lfunc_end2:
_tile_overlayer_lowered:
.L_overlay_start_2:
0xdf: {  	(tag) =	ssettag $0x2  }
0xe0: {  	s0 =	rddreg [dreg:$0x0];
	s2 =	stileid.u32  }
0xe1: {  	s1 =	rddreg [dreg:$0x1];
	p0 =	sne.s32 s2, $0x0  }
0xe2: {  	s3 =	rddreg [dreg:$0x2];
	[bflag:$0x3] =	sbarrier.arrive $0xFFFF;
	s2 =	simm.s32 @!p0 $0x1C03  }
0xe3: {  	[timem:s3], [sflag:s2] =	dma.local @!p0 [hbm:s0], s1  }
0xe4: {  	s0 =	simm.s32 @!p0 $0x3  }
0xe5: {  	_ =	swait.ge @!p0 [sflag:s0], s1  }
0xe6: {  	s1 =	ssub.s32 @!p0 $0x0, s1;
	[sflag:s0] =	ssyncset.done @!p0 $0x0  }
0xe7: {  	[sflag:s0] =	ssyncadd.s32 @!p0 s1  }
0xe8: {  	[bflag:$0x3] =	sbarrier.arrive $0xFFFF  }
0xe9: {  	_ =	shalt  }

</sc_bundles>
